<compile_context>
chip_gen: v7x
topology: tpu7x:2x2x1
jax: 0.10.2.dev20260603
libtpu: 0.0.44.dev20260713+nightly
codegen_flags: <defaults>
</compile_context>

<pallas_src>
import jax
import jax.numpy as jnp
from jax import lax
from jax.experimental import pallas as pl
from jax.experimental.pallas import tpu as pltpu
from jax.experimental.pallas import tpu_sc as plsc

N = 10000
E = 320000
IN_DIM = 128
OUT_DIM = 64

NUM_WORKERS = 32
CHUNK = 128
CHUNKS_PER_WORKER = 80
REAL_CHUNKS = E // CHUNK
E_PAD = NUM_WORKERS * CHUNKS_PER_WORKER * CHUNK
M_ROWS = 10240
STRIPE = M_ROWS // 16
ZROWS = 64

ROW_BLOCK = 1000
E_BLOCK = E_PAD // 10

NBUF = 3
NFULL = CHUNKS_PER_WORKER // NBUF
TAIL = CHUNKS_PER_WORKER - NFULL * NBUF



def _tc_a_body(f_ref, ei_ref, wl_ref, wd_ref, nf_ref, z_ref, src_ref, dst_ref):
    nf = jax.lax.dot_general(
        f_ref[...], wl_ref[...], (((1,), (1,)), ((), ())),
        preferred_element_type=jnp.float32)
    nf_ref[...] = nf
    u1 = jnp.tanh(nf)
    z_ref[...] = jax.lax.dot_general(
        u1, wd_ref[...], (((1,), (1,)), ((), ())),
        preferred_element_type=jnp.float32)
    src_ref[...] = ei_ref[0, :]
    dst_ref[...] = ei_ref[1, :]


def _tc_b_body(nf_ref, s0_ref, s1_ref, out_ref):
    m = s0_ref[...] + s1_ref[...]
    out_ref[...] = jnp.tanh(nf_ref[...] + jnp.maximum(m, 0.0))


def _sc_body(z_hbm, src_hbm, dst_hbm,
             s0_hbm, s1_hbm,
             src_v, zb_v, rb0, rb1, rb2, db0, db1, db2,
             z_spmem, acc_spmem,
             gs0, gs1, gs2, ds0, ds1, ds2):
    rows_bufs = (rb0, rb1, rb2)
    dst_bufs = (db0, db1, db2)
    gsems = (gs0, gs1, gs2)
    dsems = (ds0, ds1, ds2)

    cid = lax.axis_index("c")
    sid = lax.axis_index("s")
    wid = sid * 2 + cid
    base_chunk = wid * CHUNKS_PER_WORKER

    def zrow(i, carry):
        for j in range(OUT_DIM // 16):
            zb_v[i, pl.ds(j * 16, 16)] = jnp.zeros((16,), jnp.float32)
        return carry

    lax.fori_loop(0, ZROWS, zrow, 0, unroll=False)

    zero_copies = [
        pltpu.async_copy(
            zb_v, acc_spmem.at[pl.ds(sid * STRIPE + k * ZROWS, ZROWS)], gs0)
        for k in range(STRIPE // ZROWS)]
    src_copy = pltpu.async_copy(
        src_hbm.at[pl.ds(base_chunk * CHUNK, CHUNKS_PER_WORKER * CHUNK)],
        src_v, gs1)
    z_copy = pltpu.async_copy(
        z_hbm.at[pl.ds(sid * STRIPE, STRIPE)],
        z_spmem.at[pl.ds(sid * STRIPE, STRIPE)], gs2)
    for cp in zero_copies:
        cp.wait()
    src_copy.wait()
    z_copy.wait()

    plsc.subcore_barrier()

    def issue(c, b):
        @pl.when((c < CHUNKS_PER_WORKER) & (base_chunk + c < REAL_CHUNKS))
        def _():
            pltpu.async_copy(
                dst_hbm.at[pl.ds((base_chunk + c) * CHUNK, CHUNK)],
                dst_bufs[b], dsems[b])
            pltpu.async_copy(
                z_spmem.at[src_v.at[pl.ds(c * CHUNK, CHUNK)]],
                rows_bufs[b], gsems[b])

    def drain(c, b):
        @pl.when(base_chunk + c < REAL_CHUNKS)
        def _():
            pltpu.make_async_copy(
                dst_hbm.at[pl.ds((base_chunk + c) * CHUNK, CHUNK)],
                dst_bufs[b], dsems[b]).wait()
            pltpu.make_async_copy(
                z_spmem.at[src_v.at[pl.ds(c * CHUNK, CHUNK)]],
                rows_bufs[b], gsems[b]).wait()
            pltpu.sync_copy(rows_bufs[b], acc_spmem.at[dst_bufs[b]], add=True)

    for b in range(NBUF):
        issue(b, b)

    def outer(g, carry):
        for b in range(NBUF):
            c = g * NBUF + b
            drain(c, b)
            issue(c + NBUF, b)
        return carry

    lax.fori_loop(0, NFULL, outer, 0, unroll=False)

    for t in range(TAIL):
        c = NFULL * NBUF + t
        drain(c, c % NBUF)

    plsc.subcore_barrier()

    @pl.when(cid == 0)
    def _():
        pltpu.sync_copy(acc_spmem.at[pl.ds(sid * STRIPE, STRIPE)],
                        s0_hbm.at[pl.ds(sid * STRIPE, STRIPE)])

    @pl.when(cid == 1)
    def _():
        pltpu.sync_copy(acc_spmem.at[pl.ds(sid * STRIPE, STRIPE)],
                        s1_hbm.at[pl.ds(sid * STRIPE, STRIPE)])


@jax.jit
def kernel(feature, edge_index, W_lin, W_dense):
    n_blocks = N // ROW_BLOCK

    nf, z, src, dst = pl.pallas_call(
        _tc_a_body,
        grid=(n_blocks,),
        in_specs=[
            pl.BlockSpec((ROW_BLOCK, IN_DIM), lambda r: (r, 0)),
            pl.BlockSpec((2, E_BLOCK), lambda r: (0, r)),
            pl.BlockSpec((OUT_DIM, IN_DIM), lambda r: (0, 0)),
            pl.BlockSpec((OUT_DIM, OUT_DIM), lambda r: (0, 0)),
        ],
        out_specs=[
            pl.BlockSpec((ROW_BLOCK, OUT_DIM), lambda r: (r, 0)),
            pl.BlockSpec((ROW_BLOCK, OUT_DIM), lambda r: (r, 0)),
            pl.BlockSpec((E_BLOCK,), lambda r: (r,)),
            pl.BlockSpec((E_BLOCK,), lambda r: (r,)),
        ],
        out_shape=[
            jax.ShapeDtypeStruct((N, OUT_DIM), jnp.float32),
            jax.ShapeDtypeStruct((M_ROWS, OUT_DIM), jnp.float32),
            jax.ShapeDtypeStruct((E_PAD,), jnp.int32),
            jax.ShapeDtypeStruct((E_PAD,), jnp.int32),
        ],
    )(feature, edge_index, W_lin, W_dense)

    sc_fn = pl.kernel(
        _sc_body,
        out_type=[
            jax.ShapeDtypeStruct((M_ROWS, OUT_DIM), jnp.float32),
            jax.ShapeDtypeStruct((M_ROWS, OUT_DIM), jnp.float32),
        ],
        mesh=plsc.VectorSubcoreMesh(core_axis_name="c", subcore_axis_name="s"),
        compiler_params=pltpu.CompilerParams(use_tc_tiling_on_sc=False),
        scratch_types=[
            pltpu.VMEM((CHUNKS_PER_WORKER * CHUNK,), jnp.int32),
            pltpu.VMEM((ZROWS, OUT_DIM), jnp.float32),
            pltpu.VMEM((CHUNK, OUT_DIM), jnp.float32),
            pltpu.VMEM((CHUNK, OUT_DIM), jnp.float32),
            pltpu.VMEM((CHUNK, OUT_DIM), jnp.float32),
            pltpu.VMEM((CHUNK,), jnp.int32),
            pltpu.VMEM((CHUNK,), jnp.int32),
            pltpu.VMEM((CHUNK,), jnp.int32),
            pltpu.VMEM_SHARED((M_ROWS, OUT_DIM), jnp.float32),
            pltpu.VMEM_SHARED((M_ROWS, OUT_DIM), jnp.float32),
            pltpu.SemaphoreType.DMA,
            pltpu.SemaphoreType.DMA,
            pltpu.SemaphoreType.DMA,
            pltpu.SemaphoreType.DMA,
            pltpu.SemaphoreType.DMA,
            pltpu.SemaphoreType.DMA,
        ],
    )
    s0, s1 = sc_fn(z, src, dst)

    out = pl.pallas_call(
        _tc_b_body,
        grid=(n_blocks,),
        in_specs=[
            pl.BlockSpec((ROW_BLOCK, OUT_DIM), lambda r: (r, 0)),
            pl.BlockSpec((ROW_BLOCK, OUT_DIM), lambda r: (r, 0)),
            pl.BlockSpec((ROW_BLOCK, OUT_DIM), lambda r: (r, 0)),
        ],
        out_specs=pl.BlockSpec((ROW_BLOCK, OUT_DIM), lambda r: (r, 0)),
        out_shape=jax.ShapeDtypeStruct((N, OUT_DIM), jnp.float32),
    )(nf, s0, s1)
    return out

# --- scband reference (transcript-rebuilt; emitter-appended) ---
"""Pipeline reference for scband-structure2vec-1666447311066 (READ-ONLY COPY).

The authoritative reference and input builder live on the scoring server;
editing this copy changes nothing except your own understanding.
"""

import jax, jax.numpy as jnp
import numpy as np

N = 10000
E = 320000
IN_DIM = 128
OUT_DIM = 64
ITER = 2


def setup_inputs(seed: int = 0) -> dict:
    key = jax.random.key(seed)
    k1, k2, k3, k4 = jax.random.split(key, 4)
    feature = jax.random.normal(k1, (N, IN_DIM), dtype=jnp.float32)
    edge_index = jax.random.randint(k2, (2, E), 0, N, dtype=jnp.int32)
    # Learned parameters (no bias, per init_kwargs)
    W_lin = jax.random.normal(k3, (OUT_DIM, IN_DIM), dtype=jnp.float32) / np.sqrt(IN_DIM)
    W_dense = jax.random.normal(k4, (OUT_DIM, OUT_DIM), dtype=jnp.float32) / np.sqrt(OUT_DIM)
    return {"feature": feature, "edge_index": edge_index, "W_lin": W_lin, "W_dense": W_dense}


def reference(feature, edge_index, W_lin, W_dense):
    # Structure2vec forward:
    #   node_features = linear(feature)            (no bias)
    #   u^0 = 0
    #   for k rounds: m_i = sum_{j in N(i)} u_j    (copy_u + sum over edges)
    #                 u = tanh(node_features + relu(dense(m)))  (dense: 1 layer, no bias)
    n = feature.shape[0]
    node_features = feature @ W_lin.T
    src = edge_index[0]
    dst = edge_index[1]
    u = jnp.zeros((n, W_lin.shape[0]), dtype=feature.dtype)
    for _ in range(ITER):
        msgs = jnp.take(u, src, axis=0)
        m = jax.ops.segment_sum(msgs, dst, num_segments=n)
        u = jnp.tanh(node_features + jax.nn.relu(m @ W_dense.T))
    return u

if __name__ == "__main__":
    import jax
    _d = setup_inputs()
    print(jax.jit(kernel)(*tuple(_d.values())))

</pallas_src>

<mosaic_0001>
#map = affine_map<(d0, d1) -> (0, 0)>
#map1 = affine_map<(d0, d1) -> (0)>
module attributes {stable_mosaic.version = 14 : i64} {
  func.func @_sc_body(%arg0: i32, %arg1: i32, %arg2: memref<10240x64xf32, #tpu.memory_space<hbm>>, %arg3: memref<327680xi32, #tpu.memory_space<hbm>>, %arg4: memref<327680xi32, #tpu.memory_space<hbm>>, %arg5: memref<10240x64xf32, #tpu.memory_space<hbm>>, %arg6: memref<10240x64xf32, #tpu.memory_space<hbm>>, %arg7: memref<10240xi32, #tpu.memory_space<vmem>>, %arg8: memref<64x64xf32, #tpu.memory_space<vmem>>, %arg9: memref<128x64xf32, #tpu.memory_space<vmem>>, %arg10: memref<128x64xf32, #tpu.memory_space<vmem>>, %arg11: memref<128x64xf32, #tpu.memory_space<vmem>>, %arg12: memref<128xi32, #tpu.memory_space<vmem>>, %arg13: memref<128xi32, #tpu.memory_space<vmem>>, %arg14: memref<128xi32, #tpu.memory_space<vmem>>, %arg15: memref<10240x64xf32, #tpu.memory_space<vmem_shared>>, %arg16: memref<10240x64xf32, #tpu.memory_space<vmem_shared>>, %arg17: memref<!tpu.dma_semaphore, #tpu.memory_space<semaphore_mem>>, %arg18: memref<!tpu.dma_semaphore, #tpu.memory_space<semaphore_mem>>, %arg19: memref<!tpu.dma_semaphore, #tpu.memory_space<semaphore_mem>>, %arg20: memref<!tpu.dma_semaphore, #tpu.memory_space<semaphore_mem>>, %arg21: memref<!tpu.dma_semaphore, #tpu.memory_space<semaphore_mem>>, %arg22: memref<!tpu.dma_semaphore, #tpu.memory_space<semaphore_mem>>) attributes {dimension_semantics = [#tpu.dimension_semantics<core_parallel>, #tpu.dimension_semantics<subcore_parallel>], iteration_bounds = array<i64: 2, 16>, scalar_prefetch = 0 : i64, scratch_operands = 16 : i64, tpu.core_type = #tpu.core_type<sc_vector_subcore>, window_params = [{transform_indices = #map}, {transform_indices = #map1}, {transform_indices = #map1}, {transform_indices = #map}, {transform_indices = #map}]} {
    %mul3A = arith.constant 2 : i32
    %mul3A_0 = arith.muli %arg1, %mul3A : i32
    %add3A = arith.addi %mul3A_0, %arg0 : i32
    %mul3A_1 = arith.constant 80 : i32
    %mul3A_2 = arith.muli %add3A, %mul3A_1 : i32
    %scan3A = arith.constant 0 : i32
    %scan3A_3 = arith.constant 0 : i32
    %scan3A_4 = arith.constant 64 : i32
    %scan3A_5 = arith.addi %scan3A_3, %scan3A_4 : i32
    %scan3A_6 = arith.constant 1 : i32
    scf.for %scan3A_197 = %scan3A_3 to %scan3A_5 step %scan3A_6  : i32 {
      %broadcast_in_dim3A = arith.constant 0.000000e+00 : f32
      %broadcast_in_dim3A_198 = vector.broadcast %broadcast_in_dim3A : f32 to vector<16xf32>
      %swap3A = arith.index_cast %scan3A_197 : i32 to index
      %swap3A_199 = arith.constant 0 : index
      %swap3A_200 = tpu.vector_load %arg8[%swap3A, %swap3A_199] {strides = array<i32>} : memref<64x64xf32, #tpu.memory_space<vmem>>, vector<1x16xf32>,
      %swap3A_201 = vector.shape_cast %swap3A_200 : vector<1x16xf32> to vector<16xf32>
      %swap3A_202 = vector.shape_cast %broadcast_in_dim3A_198 : vector<16xf32> to vector<1x16xf32>
      tpu.vector_store %arg8[%swap3A, %swap3A_199], %swap3A_202 {strides = array<i32>} : memref<64x64xf32, #tpu.memory_space<vmem>>, vector<1x16xf32>,
      %broadcast_in_dim3A_203 = arith.constant 0.000000e+00 : f32
      %broadcast_in_dim3A_204 = vector.broadcast %broadcast_in_dim3A_203 : f32 to vector<16xf32>
      %swap3A_205 = arith.index_cast %scan3A_197 : i32 to index
      %swap3A_206 = arith.constant 16 : index
      %swap3A_207 = tpu.vector_load %arg8[%swap3A_205, %swap3A_206] {strides = array<i32>} : memref<64x64xf32, #tpu.memory_space<vmem>>, vector<1x16xf32>,
      %swap3A_208 = vector.shape_cast %swap3A_207 : vector<1x16xf32> to vector<16xf32>
      %swap3A_209 = vector.shape_cast %broadcast_in_dim3A_204 : vector<16xf32> to vector<1x16xf32>
      tpu.vector_store %arg8[%swap3A_205, %swap3A_206], %swap3A_209 {strides = array<i32>} : memref<64x64xf32, #tpu.memory_space<vmem>>, vector<1x16xf32>,
      %broadcast_in_dim3A_210 = arith.constant 0.000000e+00 : f32
      %broadcast_in_dim3A_211 = vector.broadcast %broadcast_in_dim3A_210 : f32 to vector<16xf32>
      %swap3A_212 = arith.index_cast %scan3A_197 : i32 to index
      %swap3A_213 = arith.constant 32 : index
      %swap3A_214 = tpu.vector_load %arg8[%swap3A_212, %swap3A_213] {strides = array<i32>} : memref<64x64xf32, #tpu.memory_space<vmem>>, vector<1x16xf32>,
      %swap3A_215 = vector.shape_cast %swap3A_214 : vector<1x16xf32> to vector<16xf32>
      %swap3A_216 = vector.shape_cast %broadcast_in_dim3A_211 : vector<16xf32> to vector<1x16xf32>
      tpu.vector_store %arg8[%swap3A_212, %swap3A_213], %swap3A_216 {strides = array<i32>} : memref<64x64xf32, #tpu.memory_space<vmem>>, vector<1x16xf32>,
      %broadcast_in_dim3A_217 = arith.constant 0.000000e+00 : f32
      %broadcast_in_dim3A_218 = vector.broadcast %broadcast_in_dim3A_217 : f32 to vector<16xf32>
      %swap3A_219 = arith.index_cast %scan3A_197 : i32 to index
      %swap3A_220 = arith.constant 48 : index
      %swap3A_221 = tpu.vector_load %arg8[%swap3A_219, %swap3A_220] {strides = array<i32>} : memref<64x64xf32, #tpu.memory_space<vmem>>, vector<1x16xf32>,
      %swap3A_222 = vector.shape_cast %swap3A_221 : vector<1x16xf32> to vector<16xf32>
      %swap3A_223 = vector.shape_cast %broadcast_in_dim3A_218 : vector<16xf32> to vector<1x16xf32>
      tpu.vector_store %arg8[%swap3A_219, %swap3A_220], %swap3A_223 {strides = array<i32>} : memref<64x64xf32, #tpu.memory_space<vmem>>, vector<1x16xf32>,
    }
    %scan3A_7 = arith.constant 64 : i32
    %mul3A_8 = arith.constant 640 : i32
    %mul3A_9 = arith.muli %arg1, %mul3A_8 : i32
    %add3A_10 = arith.constant 0 : i32
    %add3A_11 = arith.addi %mul3A_9, %add3A_10 : i32
    %dma_start3A = arith.constant 0 : i32
    %dma_start3A_12 = tpu.memref_slice %arg16[%add3A_11, %dma_start3A] : memref<10240x64xf32, #tpu.memory_space<vmem_shared>> -> memref<64x64xf32, #tpu.memory_space<vmem_shared>>
    %dma_start3A_13 = arith.constant 0 : i32
    %dma_start3A_14 = tpu.memref_slice %arg16[%add3A_11, %dma_start3A_13] : memref<10240x64xf32, #tpu.memory_space<vmem_shared>> -> memref<64x64xf32, #tpu.memory_space<vmem_shared>>
    tpu.enqueue_dma source(%arg8 : memref<64x64xf32, #tpu.memory_space<vmem>>) target(%dma_start3A_14 : memref<64x64xf32, #tpu.memory_space<vmem_shared>>) target_semaphore(%arg17 : memref<!tpu.dma_semaphore, #tpu.memory_space<semaphore_mem>>)
    %mul3A_15 = arith.constant 640 : i32
    %mul3A_16 = arith.muli %arg1, %mul3A_15 : i32
    %add3A_17 = arith.constant 64 : i32
    %add3A_18 = arith.addi %mul3A_16, %add3A_17 : i32
    %dma_start3A_19 = arith.constant 0 : i32
    %dma_start3A_20 = tpu.memref_slice %arg16[%add3A_18, %dma_start3A_19] : memref<10240x64xf32, #tpu.memory_space<vmem_shared>> -> memref<64x64xf32, #tpu.memory_space<vmem_shared>>
    %dma_start3A_21 = arith.constant 0 : i32
    %dma_start3A_22 = tpu.memref_slice %arg16[%add3A_18, %dma_start3A_21] : memref<10240x64xf32, #tpu.memory_space<vmem_shared>> -> memref<64x64xf32, #tpu.memory_space<vmem_shared>>
    tpu.enqueue_dma source(%arg8 : memref<64x64xf32, #tpu.memory_space<vmem>>) target(%dma_start3A_22 : memref<64x64xf32, #tpu.memory_space<vmem_shared>>) target_semaphore(%arg17 : memref<!tpu.dma_semaphore, #tpu.memory_space<semaphore_mem>>)
    %mul3A_23 = arith.constant 640 : i32
    %mul3A_24 = arith.muli %arg1, %mul3A_23 : i32
    %add3A_25 = arith.constant 128 : i32
    %add3A_26 = arith.addi %mul3A_24, %add3A_25 : i32
    %dma_start3A_27 = arith.constant 0 : i32
    %dma_start3A_28 = tpu.memref_slice %arg16[%add3A_26, %dma_start3A_27] : memref<10240x64xf32, #tpu.memory_space<vmem_shared>> -> memref<64x64xf32, #tpu.memory_space<vmem_shared>>
    %dma_start3A_29 = arith.constant 0 : i32
    %dma_start3A_30 = tpu.memref_slice %arg16[%add3A_26, %dma_start3A_29] : memref<10240x64xf32, #tpu.memory_space<vmem_shared>> -> memref<64x64xf32, #tpu.memory_space<vmem_shared>>
    tpu.enqueue_dma source(%arg8 : memref<64x64xf32, #tpu.memory_space<vmem>>) target(%dma_start3A_30 : memref<64x64xf32, #tpu.memory_space<vmem_shared>>) target_semaphore(%arg17 : memref<!tpu.dma_semaphore, #tpu.memory_space<semaphore_mem>>)
    %mul3A_31 = arith.constant 640 : i32
    %mul3A_32 = arith.muli %arg1, %mul3A_31 : i32
    %add3A_33 = arith.constant 192 : i32
    %add3A_34 = arith.addi %mul3A_32, %add3A_33 : i32
    %dma_start3A_35 = arith.constant 0 : i32
    %dma_start3A_36 = tpu.memref_slice %arg16[%add3A_34, %dma_start3A_35] : memref<10240x64xf32, #tpu.memory_space<vmem_shared>> -> memref<64x64xf32, #tpu.memory_space<vmem_shared>>
    %dma_start3A_37 = arith.constant 0 : i32
    %dma_start3A_38 = tpu.memref_slice %arg16[%add3A_34, %dma_start3A_37] : memref<10240x64xf32, #tpu.memory_space<vmem_shared>> -> memref<64x64xf32, #tpu.memory_space<vmem_shared>>
    tpu.enqueue_dma source(%arg8 : memref<64x64xf32, #tpu.memory_space<vmem>>) target(%dma_start3A_38 : memref<64x64xf32, #tpu.memory_space<vmem_shared>>) target_semaphore(%arg17 : memref<!tpu.dma_semaphore, #tpu.memory_space<semaphore_mem>>)
    %mul3A_39 = arith.constant 640 : i32
    %mul3A_40 = arith.muli %arg1, %mul3A_39 : i32
    %add3A_41 = arith.constant 256 : i32
    %add3A_42 = arith.addi %mul3A_40, %add3A_41 : i32
    %dma_start3A_43 = arith.constant 0 : i32
    %dma_start3A_44 = tpu.memref_slice %arg16[%add3A_42, %dma_start3A_43] : memref<10240x64xf32, #tpu.memory_space<vmem_shared>> -> memref<64x64xf32, #tpu.memory_space<vmem_shared>>
    %dma_start3A_45 = arith.constant 0 : i32
    %dma_start3A_46 = tpu.memref_slice %arg16[%add3A_42, %dma_start3A_45] : memref<10240x64xf32, #tpu.memory_space<vmem_shared>> -> memref<64x64xf32, #tpu.memory_space<vmem_shared>>
    tpu.enqueue_dma source(%arg8 : memref<64x64xf32, #tpu.memory_space<vmem>>) target(%dma_start3A_46 : memref<64x64xf32, #tpu.memory_space<vmem_shared>>) target_semaphore(%arg17 : memref<!tpu.dma_semaphore, #tpu.memory_space<semaphore_mem>>)
    %mul3A_47 = arith.constant 640 : i32
    %mul3A_48 = arith.muli %arg1, %mul3A_47 : i32
    %add3A_49 = arith.constant 320 : i32
    %add3A_50 = arith.addi %mul3A_48, %add3A_49 : i32
    %dma_start3A_51 = arith.constant 0 : i32
    %dma_start3A_52 = tpu.memref_slice %arg16[%add3A_50, %dma_start3A_51] : memref<10240x64xf32, #tpu.memory_space<vmem_shared>> -> memref<64x64xf32, #tpu.memory_space<vmem_shared>>
    %dma_start3A_53 = arith.constant 0 : i32
    %dma_start3A_54 = tpu.memref_slice %arg16[%add3A_50, %dma_start3A_53] : memref<10240x64xf32, #tpu.memory_space<vmem_shared>> -> memref<64x64xf32, #tpu.memory_space<vmem_shared>>
    tpu.enqueue_dma source(%arg8 : memref<64x64xf32, #tpu.memory_space<vmem>>) target(%dma_start3A_54 : memref<64x64xf32, #tpu.memory_space<vmem_shared>>) target_semaphore(%arg17 : memref<!tpu.dma_semaphore, #tpu.memory_space<semaphore_mem>>)
    %mul3A_55 = arith.constant 640 : i32
    %mul3A_56 = arith.muli %arg1, %mul3A_55 : i32
    %add3A_57 = arith.constant 384 : i32
    %add3A_58 = arith.addi %mul3A_56, %add3A_57 : i32
    %dma_start3A_59 = arith.constant 0 : i32
    %dma_start3A_60 = tpu.memref_slice %arg16[%add3A_58, %dma_start3A_59] : memref<10240x64xf32, #tpu.memory_space<vmem_shared>> -> memref<64x64xf32, #tpu.memory_space<vmem_shared>>
    %dma_start3A_61 = arith.constant 0 : i32
    %dma_start3A_62 = tpu.memref_slice %arg16[%add3A_58, %dma_start3A_61] : memref<10240x64xf32, #tpu.memory_space<vmem_shared>> -> memref<64x64xf32, #tpu.memory_space<vmem_shared>>
    tpu.enqueue_dma source(%arg8 : memref<64x64xf32, #tpu.memory_space<vmem>>) target(%dma_start3A_62 : memref<64x64xf32, #tpu.memory_space<vmem_shared>>) target_semaphore(%arg17 : memref<!tpu.dma_semaphore, #tpu.memory_space<semaphore_mem>>)
    %mul3A_63 = arith.constant 640 : i32
    %mul3A_64 = arith.muli %arg1, %mul3A_63 : i32
    %add3A_65 = arith.constant 448 : i32
    %add3A_66 = arith.addi %mul3A_64, %add3A_65 : i32
    %dma_start3A_67 = arith.constant 0 : i32
    %dma_start3A_68 = tpu.memref_slice %arg16[%add3A_66, %dma_start3A_67] : memref<10240x64xf32, #tpu.memory_space<vmem_shared>> -> memref<64x64xf32, #tpu.memory_space<vmem_shared>>
    %dma_start3A_69 = arith.constant 0 : i32
    %dma_start3A_70 = tpu.memref_slice %arg16[%add3A_66, %dma_start3A_69] : memref<10240x64xf32, #tpu.memory_space<vmem_shared>> -> memref<64x64xf32, #tpu.memory_space<vmem_shared>>
    tpu.enqueue_dma source(%arg8 : memref<64x64xf32, #tpu.memory_space<vmem>>) target(%dma_start3A_70 : memref<64x64xf32, #tpu.memory_space<vmem_shared>>) target_semaphore(%arg17 : memref<!tpu.dma_semaphore, #tpu.memory_space<semaphore_mem>>)
    %mul3A_71 = arith.constant 640 : i32
    %mul3A_72 = arith.muli %arg1, %mul3A_71 : i32
    %add3A_73 = arith.constant 512 : i32
    %add3A_74 = arith.addi %mul3A_72, %add3A_73 : i32
    %dma_start3A_75 = arith.constant 0 : i32
    %dma_start3A_76 = tpu.memref_slice %arg16[%add3A_74, %dma_start3A_75] : memref<10240x64xf32, #tpu.memory_space<vmem_shared>> -> memref<64x64xf32, #tpu.memory_space<vmem_shared>>
    %dma_start3A_77 = arith.constant 0 : i32
    %dma_start3A_78 = tpu.memref_slice %arg16[%add3A_74, %dma_start3A_77] : memref<10240x64xf32, #tpu.memory_space<vmem_shared>> -> memref<64x64xf32, #tpu.memory_space<vmem_shared>>
    tpu.enqueue_dma source(%arg8 : memref<64x64xf32, #tpu.memory_space<vmem>>) target(%dma_start3A_78 : memref<64x64xf32, #tpu.memory_space<vmem_shared>>) target_semaphore(%arg17 : memref<!tpu.dma_semaphore, #tpu.memory_space<semaphore_mem>>)
    %mul3A_79 = arith.constant 640 : i32
    %mul3A_80 = arith.muli %arg1, %mul3A_79 : i32
    %add3A_81 = arith.constant 576 : i32
    %add3A_82 = arith.addi %mul3A_80, %add3A_81 : i32
    %dma_start3A_83 = arith.constant 0 : i32
    %dma_start3A_84 = tpu.memref_slice %arg16[%add3A_82, %dma_start3A_83] : memref<10240x64xf32, #tpu.memory_space<vmem_shared>> -> memref<64x64xf32, #tpu.memory_space<vmem_shared>>
    %dma_start3A_85 = arith.constant 0 : i32
    %dma_start3A_86 = tpu.memref_slice %arg16[%add3A_82, %dma_start3A_85] : memref<10240x64xf32, #tpu.memory_space<vmem_shared>> -> memref<64x64xf32, #tpu.memory_space<vmem_shared>>
    tpu.enqueue_dma source(%arg8 : memref<64x64xf32, #tpu.memory_space<vmem>>) target(%dma_start3A_86 : memref<64x64xf32, #tpu.memory_space<vmem_shared>>) target_semaphore(%arg17 : memref<!tpu.dma_semaphore, #tpu.memory_space<semaphore_mem>>)
    %mul3A_87 = arith.constant 128 : i32
    %mul3A_88 = arith.muli %mul3A_2, %mul3A_87 : i32
    %dma_start3A_89 = tpu.memref_slice %arg3[%mul3A_88] : memref<327680xi32, #tpu.memory_space<hbm>> -> memref<10240xi32, #tpu.memory_space<hbm>>
    %dma_start3A_90 = tpu.memref_slice %arg3[%mul3A_88] : memref<327680xi32, #tpu.memory_space<hbm>> -> memref<10240xi32, #tpu.memory_space<hbm>>
    tpu.enqueue_dma source(%dma_start3A_90 : memref<10240xi32, #tpu.memory_space<hbm>>) target(%arg7 : memref<10240xi32, #tpu.memory_space<vmem>>) target_semaphore(%arg18 : memref<!tpu.dma_semaphore, #tpu.memory_space<semaphore_mem>>)
    %mul3A_91 = arith.constant 640 : i32
    %mul3A_92 = arith.muli %arg1, %mul3A_91 : i32
    %mul3A_93 = arith.constant 640 : i32
    %mul3A_94 = arith.muli %arg1, %mul3A_93 : i32
    %dma_start3A_95 = arith.constant 0 : i32
    %dma_start3A_96 = tpu.memref_slice %arg15[%mul3A_94, %dma_start3A_95] : memref<10240x64xf32, #tpu.memory_space<vmem_shared>> -> memref<640x64xf32, #tpu.memory_space<vmem_shared>>
    %dma_start3A_97 = arith.constant 0 : i32
    %dma_start3A_98 = tpu.memref_slice %arg2[%mul3A_92, %dma_start3A_97] : memref<10240x64xf32, #tpu.memory_space<hbm>> -> memref<640x64xf32, #tpu.memory_space<hbm>>
    tpu.enqueue_dma source(%dma_start3A_98 : memref<640x64xf32, #tpu.memory_space<hbm>>) target(%dma_start3A_96 : memref<640x64xf32, #tpu.memory_space<vmem_shared>>) target_semaphore(%arg19 : memref<!tpu.dma_semaphore, #tpu.memory_space<semaphore_mem>>)
    %dma_wait3A = arith.constant 0 : i32
    %dma_wait3A_99 = tpu.memref_slice %arg16[%add3A_11, %dma_wait3A] : memref<10240x64xf32, #tpu.memory_space<vmem_shared>> -> memref<64x64xf32, #tpu.memory_space<vmem_shared>>
    %dma_wait3A_100 = arith.constant 0 : i32
    %dma_wait3A_101 = tpu.memref_slice %arg16[%add3A_11, %dma_wait3A_100] : memref<10240x64xf32, #tpu.memory_space<vmem_shared>> -> memref<64x64xf32, #tpu.memory_space<vmem_shared>>
    tpu.wait_dma2 semaphore(%arg17 : memref<!tpu.dma_semaphore, #tpu.memory_space<semaphore_mem>>) src(%arg8 : memref<64x64xf32, #tpu.memory_space<vmem>>) dst(%dma_wait3A_101 : memref<64x64xf32, #tpu.memory_space<vmem_shared>>)
    %dma_wait3A_102 = arith.constant 0 : i32
    %dma_wait3A_103 = tpu.memref_slice %arg16[%add3A_18, %dma_wait3A_102] : memref<10240x64xf32, #tpu.memory_space<vmem_shared>> -> memref<64x64xf32, #tpu.memory_space<vmem_shared>>
    %dma_wait3A_104 = arith.constant 0 : i32
    %dma_wait3A_105 = tpu.memref_slice %arg16[%add3A_18, %dma_wait3A_104] : memref<10240x64xf32, #tpu.memory_space<vmem_shared>> -> memref<64x64xf32, #tpu.memory_space<vmem_shared>>
    tpu.wait_dma2 semaphore(%arg17 : memref<!tpu.dma_semaphore, #tpu.memory_space<semaphore_mem>>) src(%arg8 : memref<64x64xf32, #tpu.memory_space<vmem>>) dst(%dma_wait3A_105 : memref<64x64xf32, #tpu.memory_space<vmem_shared>>)
    %dma_wait3A_106 = arith.constant 0 : i32
    %dma_wait3A_107 = tpu.memref_slice %arg16[%add3A_26, %dma_wait3A_106] : memref<10240x64xf32, #tpu.memory_space<vmem_shared>> -> memref<64x64xf32, #tpu.memory_space<vmem_shared>>
    %dma_wait3A_108 = arith.constant 0 : i32
    %dma_wait3A_109 = tpu.memref_slice %arg16[%add3A_26, %dma_wait3A_108] : memref<10240x64xf32, #tpu.memory_space<vmem_shared>> -> memref<64x64xf32, #tpu.memory_space<vmem_shared>>
    tpu.wait_dma2 semaphore(%arg17 : memref<!tpu.dma_semaphore, #tpu.memory_space<semaphore_mem>>) src(%arg8 : memref<64x64xf32, #tpu.memory_space<vmem>>) dst(%dma_wait3A_109 : memref<64x64xf32, #tpu.memory_space<vmem_shared>>)
    %dma_wait3A_110 = arith.constant 0 : i32
    %dma_wait3A_111 = tpu.memref_slice %arg16[%add3A_34, %dma_wait3A_110] : memref<10240x64xf32, #tpu.memory_space<vmem_shared>> -> memref<64x64xf32, #tpu.memory_space<vmem_shared>>
    %dma_wait3A_112 = arith.constant 0 : i32
    %dma_wait3A_113 = tpu.memref_slice %arg16[%add3A_34, %dma_wait3A_112] : memref<10240x64xf32, #tpu.memory_space<vmem_shared>> -> memref<64x64xf32, #tpu.memory_space<vmem_shared>>
    tpu.wait_dma2 semaphore(%arg17 : memref<!tpu.dma_semaphore, #tpu.memory_space<semaphore_mem>>) src(%arg8 : memref<64x64xf32, #tpu.memory_space<vmem>>) dst(%dma_wait3A_113 : memref<64x64xf32, #tpu.memory_space<vmem_shared>>)
    %dma_wait3A_114 = arith.constant 0 : i32
    %dma_wait3A_115 = tpu.memref_slice %arg16[%add3A_42, %dma_wait3A_114] : memref<10240x64xf32, #tpu.memory_space<vmem_shared>> -> memref<64x64xf32, #tpu.memory_space<vmem_shared>>
    %dma_wait3A_116 = arith.constant 0 : i32
    %dma_wait3A_117 = tpu.memref_slice %arg16[%add3A_42, %dma_wait3A_116] : memref<10240x64xf32, #tpu.memory_space<vmem_shared>> -> memref<64x64xf32, #tpu.memory_space<vmem_shared>>
    tpu.wait_dma2 semaphore(%arg17 : memref<!tpu.dma_semaphore, #tpu.memory_space<semaphore_mem>>) src(%arg8 : memref<64x64xf32, #tpu.memory_space<vmem>>) dst(%dma_wait3A_117 : memref<64x64xf32, #tpu.memory_space<vmem_shared>>)
    %dma_wait3A_118 = arith.constant 0 : i32
    %dma_wait3A_119 = tpu.memref_slice %arg16[%add3A_50, %dma_wait3A_118] : memref<10240x64xf32, #tpu.memory_space<vmem_shared>> -> memref<64x64xf32, #tpu.memory_space<vmem_shared>>
    %dma_wait3A_120 = arith.constant 0 : i32
    %dma_wait3A_121 = tpu.memref_slice %arg16[%add3A_50, %dma_wait3A_120] : memref<10240x64xf32, #tpu.memory_space<vmem_shared>> -> memref<64x64xf32, #tpu.memory_space<vmem_shared>>
    tpu.wait_dma2 semaphore(%arg17 : memref<!tpu.dma_semaphore, #tpu.memory_space<semaphore_mem>>) src(%arg8 : memref<64x64xf32, #tpu.memory_space<vmem>>) dst(%dma_wait3A_121 : memref<64x64xf32, #tpu.memory_space<vmem_shared>>)
    %dma_wait3A_122 = arith.constant 0 : i32
    %dma_wait3A_123 = tpu.memref_slice %arg16[%add3A_58, %dma_wait3A_122] : memref<10240x64xf32, #tpu.memory_space<vmem_shared>> -> memref<64x64xf32, #tpu.memory_space<vmem_shared>>
    %dma_wait3A_124 = arith.constant 0 : i32
    %dma_wait3A_125 = tpu.memref_slice %arg16[%add3A_58, %dma_wait3A_124] : memref<10240x64xf32, #tpu.memory_space<vmem_shared>> -> memref<64x64xf32, #tpu.memory_space<vmem_shared>>
    tpu.wait_dma2 semaphore(%arg17 : memref<!tpu.dma_semaphore, #tpu.memory_space<semaphore_mem>>) src(%arg8 : memref<64x64xf32, #tpu.memory_space<vmem>>) dst(%dma_wait3A_125 : memref<64x64xf32, #tpu.memory_space<vmem_shared>>)
    %dma_wait3A_126 = arith.constant 0 : i32
    %dma_wait3A_127 = tpu.memref_slice %arg16[%add3A_66, %dma_wait3A_126] : memref<10240x64xf32, #tpu.memory_space<vmem_shared>> -> memref<64x64xf32, #tpu.memory_space<vmem_shared>>
    %dma_wait3A_128 = arith.constant 0 : i32
    %dma_wait3A_129 = tpu.memref_slice %arg16[%add3A_66, %dma_wait3A_128] : memref<10240x64xf32, #tpu.memory_space<vmem_shared>> -> memref<64x64xf32, #tpu.memory_space<vmem_shared>>
    tpu.wait_dma2 semaphore(%arg17 : memref<!tpu.dma_semaphore, #tpu.memory_space<semaphore_mem>>) src(%arg8 : memref<64x64xf32, #tpu.memory_space<vmem>>) dst(%dma_wait3A_129 : memref<64x64xf32, #tpu.memory_space<vmem_shared>>)
    %dma_wait3A_130 = arith.constant 0 : i32
    %dma_wait3A_131 = tpu.memref_slice %arg16[%add3A_74, %dma_wait3A_130] : memref<10240x64xf32, #tpu.memory_space<vmem_shared>> -> memref<64x64xf32, #tpu.memory_space<vmem_shared>>
    %dma_wait3A_132 = arith.constant 0 : i32
    %dma_wait3A_133 = tpu.memref_slice %arg16[%add3A_74, %dma_wait3A_132] : memref<10240x64xf32, #tpu.memory_space<vmem_shared>> -> memref<64x64xf32, #tpu.memory_space<vmem_shared>>
    tpu.wait_dma2 semaphore(%arg17 : memref<!tpu.dma_semaphore, #tpu.memory_space<semaphore_mem>>) src(%arg8 : memref<64x64xf32, #tpu.memory_space<vmem>>) dst(%dma_wait3A_133 : memref<64x64xf32, #tpu.memory_space<vmem_shared>>)
    %dma_wait3A_134 = arith.constant 0 : i32
    %dma_wait3A_135 = tpu.memref_slice %arg16[%add3A_82, %dma_wait3A_134] : memref<10240x64xf32, #tpu.memory_space<vmem_shared>> -> memref<64x64xf32, #tpu.memory_space<vmem_shared>>
    %dma_wait3A_136 = arith.constant 0 : i32
    %dma_wait3A_137 = tpu.memref_slice %arg16[%add3A_82, %dma_wait3A_136] : memref<10240x64xf32, #tpu.memory_space<vmem_shared>> -> memref<64x64xf32, #tpu.memory_space<vmem_shared>>
    tpu.wait_dma2 semaphore(%arg17 : memref<!tpu.dma_semaphore, #tpu.memory_space<semaphore_mem>>) src(%arg8 : memref<64x64xf32, #tpu.memory_space<vmem>>) dst(%dma_wait3A_137 : memref<64x64xf32, #tpu.memory_space<vmem_shared>>)
    %dma_wait3A_138 = tpu.memref_slice %arg3[%mul3A_88] : memref<327680xi32, #tpu.memory_space<hbm>> -> memref<10240xi32, #tpu.memory_space<hbm>>
    %dma_wait3A_139 = tpu.memref_slice %arg3[%mul3A_88] : memref<327680xi32, #tpu.memory_space<hbm>> -> memref<10240xi32, #tpu.memory_space<hbm>>
    tpu.wait_dma2 semaphore(%arg18 : memref<!tpu.dma_semaphore, #tpu.memory_space<semaphore_mem>>) src(%dma_wait3A_139 : memref<10240xi32, #tpu.memory_space<hbm>>) dst(%arg7 : memref<10240xi32, #tpu.memory_space<vmem>>)
    %dma_wait3A_140 = arith.constant 0 : i32
    %dma_wait3A_141 = tpu.memref_slice %arg15[%mul3A_94, %dma_wait3A_140] : memref<10240x64xf32, #tpu.memory_space<vmem_shared>> -> memref<640x64xf32, #tpu.memory_space<vmem_shared>>
    %dma_wait3A_142 = arith.constant 0 : i32
    %dma_wait3A_143 = tpu.memref_slice %arg2[%mul3A_92, %dma_wait3A_142] : memref<10240x64xf32, #tpu.memory_space<hbm>> -> memref<640x64xf32, #tpu.memory_space<hbm>>
    tpu.wait_dma2 semaphore(%arg19 : memref<!tpu.dma_semaphore, #tpu.memory_space<semaphore_mem>>) src(%dma_wait3A_143 : memref<640x64xf32, #tpu.memory_space<hbm>>) dst(%dma_wait3A_141 : memref<640x64xf32, #tpu.memory_space<vmem_shared>>)
    %barrier3A = arith.constant 0 : index
    tpu.barrier barrier_id(%barrier3A)
    %add3A_144 = arith.constant 0 : i32
    %add3A_145 = arith.addi %mul3A_2, %add3A_144 : i32
    %lt3A = arith.constant 2500 : i32
    %lt3A_146 = arith.cmpi slt, %add3A_145, %lt3A : i32
    %and3A = arith.constant true
    %and3A_147 = arith.andi %and3A, %lt3A_146 : i1
    %convert_element_type3A = arith.extui %and3A_147 : i1 to i32
    %cond3A = arith.constant 0 : i32
    %cond3A_148 = arith.cmpi ne, %convert_element_type3A, %cond3A : i32
    scf.if %cond3A_148 {
      %add3A_197 = arith.constant 0 : i32
      %add3A_198 = arith.addi %mul3A_2, %add3A_197 : i32
      %mul3A_199 = arith.constant 128 : i32
      %mul3A_200 = arith.muli %add3A_198, %mul3A_199 : i32
      %dma_start3A_201 = tpu.memref_slice %arg4[%mul3A_200] : memref<327680xi32, #tpu.memory_space<hbm>> -> memref<128xi32, #tpu.memory_space<hbm>>
      %dma_start3A_202 = tpu.memref_slice %arg4[%mul3A_200] : memref<327680xi32, #tpu.memory_space<hbm>> -> memref<128xi32, #tpu.memory_space<hbm>>
      tpu.enqueue_dma source(%dma_start3A_202 : memref<128xi32, #tpu.memory_space<hbm>>) target(%arg12 : memref<128xi32, #tpu.memory_space<vmem>>) target_semaphore(%arg20 : memref<!tpu.dma_semaphore, #tpu.memory_space<semaphore_mem>>)
      %dma_start3A_203 = arith.constant 0 : i32
      %dma_start3A_204 = tpu.memref_slice %arg7[%dma_start3A_203] : memref<10240xi32, #tpu.memory_space<vmem>> -> memref<128xi32, #tpu.memory_space<vmem>>
      %dma_start3A_205 = arith.constant 0 : i32
      %dma_start3A_206 = arith.constant 0 : i32
      %dma_start3A_207 = tpu.memref_slice %arg15[%dma_start3A_205, %dma_start3A_206] : memref<10240x64xf32, #tpu.memory_space<vmem_shared>> -> memref<10240x64xf32, #tpu.memory_space<vmem_shared>>
      tpu.enqueue_indirect_dma source(%dma_start3A_207 : memref<10240x64xf32, #tpu.memory_space<vmem_shared>>) target(%arg9 : memref<128x64xf32, #tpu.memory_space<vmem>>) offsets(%dma_start3A_204 : memref<128xi32, #tpu.memory_space<vmem>>) semaphore(%arg17 : memref<!tpu.dma_semaphore, #tpu.memory_space<semaphore_mem>>)
    } else {
    }
    %add3A_149 = arith.constant 1 : i32
    %add3A_150 = arith.addi %mul3A_2, %add3A_149 : i32
    %lt3A_151 = arith.constant 2500 : i32
    %lt3A_152 = arith.cmpi slt, %add3A_150, %lt3A_151 : i32
    %and3A_153 = arith.constant true
    %and3A_154 = arith.andi %and3A_153, %lt3A_152 : i1
    %convert_element_type3A_155 = arith.extui %and3A_154 : i1 to i32
    %cond3A_156 = arith.constant 0 : i32
    %cond3A_157 = arith.cmpi ne, %convert_element_type3A_155, %cond3A_156 : i32
    scf.if %cond3A_157 {
      %add3A_197 = arith.constant 1 : i32
      %add3A_198 = arith.addi %mul3A_2, %add3A_197 : i32
      %mul3A_199 = arith.constant 128 : i32
      %mul3A_200 = arith.muli %add3A_198, %mul3A_199 : i32
      %dma_start3A_201 = tpu.memref_slice %arg4[%mul3A_200] : memref<327680xi32, #tpu.memory_space<hbm>> -> memref<128xi32, #tpu.memory_space<hbm>>
      %dma_start3A_202 = tpu.memref_slice %arg4[%mul3A_200] : memref<327680xi32, #tpu.memory_space<hbm>> -> memref<128xi32, #tpu.memory_space<hbm>>
      tpu.enqueue_dma source(%dma_start3A_202 : memref<128xi32, #tpu.memory_space<hbm>>) target(%arg13 : memref<128xi32, #tpu.memory_space<vmem>>) target_semaphore(%arg21 : memref<!tpu.dma_semaphore, #tpu.memory_space<semaphore_mem>>)
      %dma_start3A_203 = arith.constant 128 : i32
      %dma_start3A_204 = tpu.memref_slice %arg7[%dma_start3A_203] : memref<10240xi32, #tpu.memory_space<vmem>> -> memref<128xi32, #tpu.memory_space<vmem>>
      %dma_start3A_205 = arith.constant 0 : i32
      %dma_start3A_206 = arith.constant 0 : i32
      %dma_start3A_207 = tpu.memref_slice %arg15[%dma_start3A_205, %dma_start3A_206] : memref<10240x64xf32, #tpu.memory_space<vmem_shared>> -> memref<10240x64xf32, #tpu.memory_space<vmem_shared>>
      tpu.enqueue_indirect_dma source(%dma_start3A_207 : memref<10240x64xf32, #tpu.memory_space<vmem_shared>>) target(%arg10 : memref<128x64xf32, #tpu.memory_space<vmem>>) offsets(%dma_start3A_204 : memref<128xi32, #tpu.memory_space<vmem>>) semaphore(%arg18 : memref<!tpu.dma_semaphore, #tpu.memory_space<semaphore_mem>>)
    } else {
    }
    %add3A_158 = arith.constant 2 : i32
    %add3A_159 = arith.addi %mul3A_2, %add3A_158 : i32
    %lt3A_160 = arith.constant 2500 : i32
    %lt3A_161 = arith.cmpi slt, %add3A_159, %lt3A_160 : i32
    %and3A_162 = arith.constant true
    %and3A_163 = arith.andi %and3A_162, %lt3A_161 : i1
    %convert_element_type3A_164 = arith.extui %and3A_163 : i1 to i32
    %cond3A_165 = arith.constant 0 : i32
    %cond3A_166 = arith.cmpi ne, %convert_element_type3A_164, %cond3A_165 : i32
    scf.if %cond3A_166 {
      %add3A_197 = arith.constant 2 : i32
      %add3A_198 = arith.addi %mul3A_2, %add3A_197 : i32
      %mul3A_199 = arith.constant 128 : i32
      %mul3A_200 = arith.muli %add3A_198, %mul3A_199 : i32
      %dma_start3A_201 = tpu.memref_slice %arg4[%mul3A_200] : memref<327680xi32, #tpu.memory_space<hbm>> -> memref<128xi32, #tpu.memory_space<hbm>>
      %dma_start3A_202 = tpu.memref_slice %arg4[%mul3A_200] : memref<327680xi32, #tpu.memory_space<hbm>> -> memref<128xi32, #tpu.memory_space<hbm>>
      tpu.enqueue_dma source(%dma_start3A_202 : memref<128xi32, #tpu.memory_space<hbm>>) target(%arg14 : memref<128xi32, #tpu.memory_space<vmem>>) target_semaphore(%arg22 : memref<!tpu.dma_semaphore, #tpu.memory_space<semaphore_mem>>)
      %dma_start3A_203 = arith.constant 256 : i32
      %dma_start3A_204 = tpu.memref_slice %arg7[%dma_start3A_203] : memref<10240xi32, #tpu.memory_space<vmem>> -> memref<128xi32, #tpu.memory_space<vmem>>
      %dma_start3A_205 = arith.constant 0 : i32
      %dma_start3A_206 = arith.constant 0 : i32
      %dma_start3A_207 = tpu.memref_slice %arg15[%dma_start3A_205, %dma_start3A_206] : memref<10240x64xf32, #tpu.memory_space<vmem_shared>> -> memref<10240x64xf32, #tpu.memory_space<vmem_shared>>
      tpu.enqueue_indirect_dma source(%dma_start3A_207 : memref<10240x64xf32, #tpu.memory_space<vmem_shared>>) target(%arg11 : memref<128x64xf32, #tpu.memory_space<vmem>>) offsets(%dma_start3A_204 : memref<128xi32, #tpu.memory_space<vmem>>) semaphore(%arg19 : memref<!tpu.dma_semaphore, #tpu.memory_space<semaphore_mem>>)
    } else {
    }
    %scan3A_167 = arith.constant 0 : i32
    %scan3A_168 = arith.constant 0 : i32
    %scan3A_169 = arith.constant 26 : i32
    %scan3A_170 = arith.addi %scan3A_168, %scan3A_169 : i32
    %scan3A_171 = arith.constant 1 : i32
    scf.for %scan3A_197 = %scan3A_168 to %scan3A_170 step %scan3A_171  : i32 {
      %mul3A_198 = arith.constant 3 : i32
      %mul3A_199 = arith.muli %scan3A_197, %mul3A_198 : i32
      %add3A_200 = arith.constant 0 : i32
      %add3A_201 = arith.addi %mul3A_199, %add3A_200 : i32
      %add3A_202 = arith.addi %mul3A_2, %add3A_201 : i32
      %lt3A_203 = arith.constant 2500 : i32
      %lt3A_204 = arith.cmpi slt, %add3A_202, %lt3A_203 : i32
      %convert_element_type3A_205 = arith.extui %lt3A_204 : i1 to i32
      %cond3A_206 = arith.constant 0 : i32
      %cond3A_207 = arith.cmpi ne, %convert_element_type3A_205, %cond3A_206 : i32
      scf.if %cond3A_207 {
        %add3A_261 = arith.addi %mul3A_2, %add3A_201 : i32
        %mul3A_262 = arith.constant 128 : i32
        %mul3A_263 = arith.muli %add3A_261, %mul3A_262 : i32
        %dma_wait3A_264 = tpu.memref_slice %arg4[%mul3A_263] : memref<327680xi32, #tpu.memory_space<hbm>> -> memref<128xi32, #tpu.memory_space<hbm>>
        %dma_wait3A_265 = tpu.memref_slice %arg4[%mul3A_263] : memref<327680xi32, #tpu.memory_space<hbm>> -> memref<128xi32, #tpu.memory_space<hbm>>
        tpu.wait_dma2 semaphore(%arg20 : memref<!tpu.dma_semaphore, #tpu.memory_space<semaphore_mem>>) src(%dma_wait3A_265 : memref<128xi32, #tpu.memory_space<hbm>>) dst(%arg12 : memref<128xi32, #tpu.memory_space<vmem>>)
        %mul3A_266 = arith.constant 128 : i32
        %mul3A_267 = arith.muli %add3A_201, %mul3A_266 : i32
        %dma_wait3A_268 = tpu.memref_slice %arg7[%mul3A_267] : memref<10240xi32, #tpu.memory_space<vmem>> -> memref<128xi32, #tpu.memory_space<vmem>>
        %dma_wait3A_269 = arith.constant 0 : i32
        %dma_wait3A_270 = arith.constant 0 : i32
        %dma_wait3A_271 = tpu.memref_slice %arg15[%dma_wait3A_269, %dma_wait3A_270] : memref<10240x64xf32, #tpu.memory_space<vmem_shared>> -> memref<10240x64xf32, #tpu.memory_space<vmem_shared>>
        tpu.wait_indirect_dma semaphore(%arg17 : memref<!tpu.dma_semaphore, #tpu.memory_space<semaphore_mem>>) src(%dma_wait3A_271 : memref<10240x64xf32, #tpu.memory_space<vmem_shared>>) dst(%arg9 : memref<128x64xf32, #tpu.memory_space<vmem>>)
        "tpu.region"() ({
          %run_scoped3A = tpu.sem_alloc : memref<!tpu.dma_semaphore, #tpu.memory_space<semaphore_mem>>
          %dma_start3A_272 = arith.constant 0 : i32
          %dma_start3A_273 = arith.constant 0 : i32
          %dma_start3A_274 = tpu.memref_slice %arg16[%dma_start3A_272, %dma_start3A_273] : memref<10240x64xf32, #tpu.memory_space<vmem_shared>> -> memref<10240x64xf32, #tpu.memory_space<vmem_shared>>
          tpu.enqueue_indirect_dma source(%arg9 : memref<128x64xf32, #tpu.memory_space<vmem>>) target(%dma_start3A_274 : memref<10240x64xf32, #tpu.memory_space<vmem_shared>>) offsets(%arg12 : memref<128xi32, #tpu.memory_space<vmem>>) semaphore(%run_scoped3A : memref<!tpu.dma_semaphore, #tpu.memory_space<semaphore_mem>>) {add = true}
          %dma_wait3A_275 = arith.constant 0 : i32
          %dma_wait3A_276 = arith.constant 0 : i32
          %dma_wait3A_277 = tpu.memref_slice %arg16[%dma_wait3A_275, %dma_wait3A_276] : memref<10240x64xf32, #tpu.memory_space<vmem_shared>> -> memref<10240x64xf32, #tpu.memory_space<vmem_shared>>
          tpu.wait_indirect_dma semaphore(%run_scoped3A : memref<!tpu.dma_semaphore, #tpu.memory_space<semaphore_mem>>) src(%arg9 : memref<128x64xf32, #tpu.memory_space<vmem>>) dst(%dma_wait3A_277 : memref<10240x64xf32, #tpu.memory_space<vmem_shared>>)
          tpu.yield
        }) : () -> ()
      } else {
      }
      %add3A_208 = arith.constant 3 : i32
      %add3A_209 = arith.addi %add3A_201, %add3A_208 : i32
      %lt3A_210 = arith.constant 80 : i32
      %lt3A_211 = arith.cmpi slt, %add3A_209, %lt3A_210 : i32
      %add3A_212 = arith.addi %mul3A_2, %add3A_209 : i32
      %lt3A_213 = arith.constant 2500 : i32
      %lt3A_214 = arith.cmpi slt, %add3A_212, %lt3A_213 : i32
      %and3A_215 = arith.andi %lt3A_211, %lt3A_214 : i1
      %convert_element_type3A_216 = arith.extui %and3A_215 : i1 to i32
      %cond3A_217 = arith.constant 0 : i32
      %cond3A_218 = arith.cmpi ne, %convert_element_type3A_216, %cond3A_217 : i32
      scf.if %cond3A_218 {
        %add3A_261 = arith.addi %mul3A_2, %add3A_209 : i32
        %mul3A_262 = arith.constant 128 : i32
        %mul3A_263 = arith.muli %add3A_261, %mul3A_262 : i32
        %dma_start3A_264 = tpu.memref_slice %arg4[%mul3A_263] : memref<327680xi32, #tpu.memory_space<hbm>> -> memref<128xi32, #tpu.memory_space<hbm>>
        %dma_start3A_265 = tpu.memref_slice %arg4[%mul3A_263] : memref<327680xi32, #tpu.memory_space<hbm>> -> memref<128xi32, #tpu.memory_space<hbm>>
        tpu.enqueue_dma source(%dma_start3A_265 : memref<128xi32, #tpu.memory_space<hbm>>) target(%arg12 : memref<128xi32, #tpu.memory_space<vmem>>) target_semaphore(%arg20 : memref<!tpu.dma_semaphore, #tpu.memory_space<semaphore_mem>>)
        %mul3A_266 = arith.constant 128 : i32
        %mul3A_267 = arith.muli %add3A_209, %mul3A_266 : i32
        %dma_start3A_268 = tpu.memref_slice %arg7[%mul3A_267] : memref<10240xi32, #tpu.memory_space<vmem>> -> memref<128xi32, #tpu.memory_space<vmem>>
        %dma_start3A_269 = arith.constant 0 : i32
        %dma_start3A_270 = arith.constant 0 : i32
        %dma_start3A_271 = tpu.memref_slice %arg15[%dma_start3A_269, %dma_start3A_270] : memref<10240x64xf32, #tpu.memory_space<vmem_shared>> -> memref<10240x64xf32, #tpu.memory_space<vmem_shared>>
        tpu.enqueue_indirect_dma source(%dma_start3A_271 : memref<10240x64xf32, #tpu.memory_space<vmem_shared>>) target(%arg9 : memref<128x64xf32, #tpu.memory_space<vmem>>) offsets(%dma_start3A_268 : memref<128xi32, #tpu.memory_space<vmem>>) semaphore(%arg17 : memref<!tpu.dma_semaphore, #tpu.memory_space<semaphore_mem>>)
      } else {
      }
      %mul3A_219 = arith.constant 3 : i32
      %mul3A_220 = arith.muli %scan3A_197, %mul3A_219 : i32
      %add3A_221 = arith.constant 1 : i32
      %add3A_222 = arith.addi %mul3A_220, %add3A_221 : i32
      %add3A_223 = arith.addi %mul3A_2, %add3A_222 : i32
      %lt3A_224 = arith.constant 2500 : i32
      %lt3A_225 = arith.cmpi slt, %add3A_223, %lt3A_224 : i32
      %convert_element_type3A_226 = arith.extui %lt3A_225 : i1 to i32
      %cond3A_227 = arith.constant 0 : i32
      %cond3A_228 = arith.cmpi ne, %convert_element_type3A_226, %cond3A_227 : i32
      scf.if %cond3A_228 {
        %add3A_261 = arith.addi %mul3A_2, %add3A_222 : i32
        %mul3A_262 = arith.constant 128 : i32
        %mul3A_263 = arith.muli %add3A_261, %mul3A_262 : i32
        %dma_wait3A_264 = tpu.memref_slice %arg4[%mul3A_263] : memref<327680xi32, #tpu.memory_space<hbm>> -> memref<128xi32, #tpu.memory_space<hbm>>
        %dma_wait3A_265 = tpu.memref_slice %arg4[%mul3A_263] : memref<327680xi32, #tpu.memory_space<hbm>> -> memref<128xi32, #tpu.memory_space<hbm>>
        tpu.wait_dma2 semaphore(%arg21 : memref<!tpu.dma_semaphore, #tpu.memory_space<semaphore_mem>>) src(%dma_wait3A_265 : memref<128xi32, #tpu.memory_space<hbm>>) dst(%arg13 : memref<128xi32, #tpu.memory_space<vmem>>)
        %mul3A_266 = arith.constant 128 : i32
        %mul3A_267 = arith.muli %add3A_222, %mul3A_266 : i32
        %dma_wait3A_268 = tpu.memref_slice %arg7[%mul3A_267] : memref<10240xi32, #tpu.memory_space<vmem>> -> memref<128xi32, #tpu.memory_space<vmem>>
        %dma_wait3A_269 = arith.constant 0 : i32
        %dma_wait3A_270 = arith.constant 0 : i32
        %dma_wait3A_271 = tpu.memref_slice %arg15[%dma_wait3A_269, %dma_wait3A_270] : memref<10240x64xf32, #tpu.memory_space<vmem_shared>> -> memref<10240x64xf32, #tpu.memory_space<vmem_shared>>
        tpu.wait_indirect_dma semaphore(%arg18 : memref<!tpu.dma_semaphore, #tpu.memory_space<semaphore_mem>>) src(%dma_wait3A_271 : memref<10240x64xf32, #tpu.memory_space<vmem_shared>>) dst(%arg10 : memref<128x64xf32, #tpu.memory_space<vmem>>)
        "tpu.region"() ({
          %run_scoped3A = tpu.sem_alloc : memref<!tpu.dma_semaphore, #tpu.memory_space<semaphore_mem>>
          %dma_start3A_272 = arith.constant 0 : i32
          %dma_start3A_273 = arith.constant 0 : i32
          %dma_start3A_274 = tpu.memref_slice %arg16[%dma_start3A_272, %dma_start3A_273] : memref<10240x64xf32, #tpu.memory_space<vmem_shared>> -> memref<10240x64xf32, #tpu.memory_space<vmem_shared>>
          tpu.enqueue_indirect_dma source(%arg10 : memref<128x64xf32, #tpu.memory_space<vmem>>) target(%dma_start3A_274 : memref<10240x64xf32, #tpu.memory_space<vmem_shared>>) offsets(%arg13 : memref<128xi32, #tpu.memory_space<vmem>>) semaphore(%run_scoped3A : memref<!tpu.dma_semaphore, #tpu.memory_space<semaphore_mem>>) {add = true}
          %dma_wait3A_275 = arith.constant 0 : i32
          %dma_wait3A_276 = arith.constant 0 : i32
          %dma_wait3A_277 = tpu.memref_slice %arg16[%dma_wait3A_275, %dma_wait3A_276] : memref<10240x64xf32, #tpu.memory_space<vmem_shared>> -> memref<10240x64xf32, #tpu.memory_space<vmem_shared>>
          tpu.wait_indirect_dma semaphore(%run_scoped3A : memref<!tpu.dma_semaphore, #tpu.memory_space<semaphore_mem>>) src(%arg10 : memref<128x64xf32, #tpu.memory_space<vmem>>) dst(%dma_wait3A_277 : memref<10240x64xf32, #tpu.memory_space<vmem_shared>>)
          tpu.yield
        }) : () -> ()
      } else {
      }
      %add3A_229 = arith.constant 3 : i32
      %add3A_230 = arith.addi %add3A_222, %add3A_229 : i32
      %lt3A_231 = arith.constant 80 : i32
      %lt3A_232 = arith.cmpi slt, %add3A_230, %lt3A_231 : i32
      %add3A_233 = arith.addi %mul3A_2, %add3A_230 : i32
      %lt3A_234 = arith.constant 2500 : i32
      %lt3A_235 = arith.cmpi slt, %add3A_233, %lt3A_234 : i32
      %and3A_236 = arith.andi %lt3A_232, %lt3A_235 : i1
      %convert_element_type3A_237 = arith.extui %and3A_236 : i1 to i32
      %cond3A_238 = arith.constant 0 : i32
      %cond3A_239 = arith.cmpi ne, %convert_element_type3A_237, %cond3A_238 : i32
      scf.if %cond3A_239 {
        %add3A_261 = arith.addi %mul3A_2, %add3A_230 : i32
        %mul3A_262 = arith.constant 128 : i32
        %mul3A_263 = arith.muli %add3A_261, %mul3A_262 : i32
        %dma_start3A_264 = tpu.memref_slice %arg4[%mul3A_263] : memref<327680xi32, #tpu.memory_space<hbm>> -> memref<128xi32, #tpu.memory_space<hbm>>
        %dma_start3A_265 = tpu.memref_slice %arg4[%mul3A_263] : memref<327680xi32, #tpu.memory_space<hbm>> -> memref<128xi32, #tpu.memory_space<hbm>>
        tpu.enqueue_dma source(%dma_start3A_265 : memref<128xi32, #tpu.memory_space<hbm>>) target(%arg13 : memref<128xi32, #tpu.memory_space<vmem>>) target_semaphore(%arg21 : memref<!tpu.dma_semaphore, #tpu.memory_space<semaphore_mem>>)
        %mul3A_266 = arith.constant 128 : i32
        %mul3A_267 = arith.muli %add3A_230, %mul3A_266 : i32
        %dma_start3A_268 = tpu.memref_slice %arg7[%mul3A_267] : memref<10240xi32, #tpu.memory_space<vmem>> -> memref<128xi32, #tpu.memory_space<vmem>>
        %dma_start3A_269 = arith.constant 0 : i32
        %dma_start3A_270 = arith.constant 0 : i32
        %dma_start3A_271 = tpu.memref_slice %arg15[%dma_start3A_269, %dma_start3A_270] : memref<10240x64xf32, #tpu.memory_space<vmem_shared>> -> memref<10240x64xf32, #tpu.memory_space<vmem_shared>>
        tpu.enqueue_indirect_dma source(%dma_start3A_271 : memref<10240x64xf32, #tpu.memory_space<vmem_shared>>) target(%arg10 : memref<128x64xf32, #tpu.memory_space<vmem>>) offsets(%dma_start3A_268 : memref<128xi32, #tpu.memory_space<vmem>>) semaphore(%arg18 : memref<!tpu.dma_semaphore, #tpu.memory_space<semaphore_mem>>)
      } else {
      }
      %mul3A_240 = arith.constant 3 : i32
      %mul3A_241 = arith.muli %scan3A_197, %mul3A_240 : i32
      %add3A_242 = arith.constant 2 : i32
      %add3A_243 = arith.addi %mul3A_241, %add3A_242 : i32
      %add3A_244 = arith.addi %mul3A_2, %add3A_243 : i32
      %lt3A_245 = arith.constant 2500 : i32
      %lt3A_246 = arith.cmpi slt, %add3A_244, %lt3A_245 : i32
      %convert_element_type3A_247 = arith.extui %lt3A_246 : i1 to i32
      %cond3A_248 = arith.constant 0 : i32
      %cond3A_249 = arith.cmpi ne, %convert_element_type3A_247, %cond3A_248 : i32
      scf.if %cond3A_249 {
        %add3A_261 = arith.addi %mul3A_2, %add3A_243 : i32
        %mul3A_262 = arith.constant 128 : i32
        %mul3A_263 = arith.muli %add3A_261, %mul3A_262 : i32
        %dma_wait3A_264 = tpu.memref_slice %arg4[%mul3A_263] : memref<327680xi32, #tpu.memory_space<hbm>> -> memref<128xi32, #tpu.memory_space<hbm>>
        %dma_wait3A_265 = tpu.memref_slice %arg4[%mul3A_263] : memref<327680xi32, #tpu.memory_space<hbm>> -> memref<128xi32, #tpu.memory_space<hbm>>
        tpu.wait_dma2 semaphore(%arg22 : memref<!tpu.dma_semaphore, #tpu.memory_space<semaphore_mem>>) src(%dma_wait3A_265 : memref<128xi32, #tpu.memory_space<hbm>>) dst(%arg14 : memref<128xi32, #tpu.memory_space<vmem>>)
        %mul3A_266 = arith.constant 128 : i32
        %mul3A_267 = arith.muli %add3A_243, %mul3A_266 : i32
        %dma_wait3A_268 = tpu.memref_slice %arg7[%mul3A_267] : memref<10240xi32, #tpu.memory_space<vmem>> -> memref<128xi32, #tpu.memory_space<vmem>>
        %dma_wait3A_269 = arith.constant 0 : i32
        %dma_wait3A_270 = arith.constant 0 : i32
        %dma_wait3A_271 = tpu.memref_slice %arg15[%dma_wait3A_269, %dma_wait3A_270] : memref<10240x64xf32, #tpu.memory_space<vmem_shared>> -> memref<10240x64xf32, #tpu.memory_space<vmem_shared>>
        tpu.wait_indirect_dma semaphore(%arg19 : memref<!tpu.dma_semaphore, #tpu.memory_space<semaphore_mem>>) src(%dma_wait3A_271 : memref<10240x64xf32, #tpu.memory_space<vmem_shared>>) dst(%arg11 : memref<128x64xf32, #tpu.memory_space<vmem>>)
        "tpu.region"() ({
          %run_scoped3A = tpu.sem_alloc : memref<!tpu.dma_semaphore, #tpu.memory_space<semaphore_mem>>
          %dma_start3A_272 = arith.constant 0 : i32
          %dma_start3A_273 = arith.constant 0 : i32
          %dma_start3A_274 = tpu.memref_slice %arg16[%dma_start3A_272, %dma_start3A_273] : memref<10240x64xf32, #tpu.memory_space<vmem_shared>> -> memref<10240x64xf32, #tpu.memory_space<vmem_shared>>
          tpu.enqueue_indirect_dma source(%arg11 : memref<128x64xf32, #tpu.memory_space<vmem>>) target(%dma_start3A_274 : memref<10240x64xf32, #tpu.memory_space<vmem_shared>>) offsets(%arg14 : memref<128xi32, #tpu.memory_space<vmem>>) semaphore(%run_scoped3A : memref<!tpu.dma_semaphore, #tpu.memory_space<semaphore_mem>>) {add = true}
          %dma_wait3A_275 = arith.constant 0 : i32
          %dma_wait3A_276 = arith.constant 0 : i32
          %dma_wait3A_277 = tpu.memref_slice %arg16[%dma_wait3A_275, %dma_wait3A_276] : memref<10240x64xf32, #tpu.memory_space<vmem_shared>> -> memref<10240x64xf32, #tpu.memory_space<vmem_shared>>
          tpu.wait_indirect_dma semaphore(%run_scoped3A : memref<!tpu.dma_semaphore, #tpu.memory_space<semaphore_mem>>) src(%arg11 : memref<128x64xf32, #tpu.memory_space<vmem>>) dst(%dma_wait3A_277 : memref<10240x64xf32, #tpu.memory_space<vmem_shared>>)
          tpu.yield
        }) : () -> ()
      } else {
      }
      %add3A_250 = arith.constant 3 : i32
      %add3A_251 = arith.addi %add3A_243, %add3A_250 : i32
      %lt3A_252 = arith.constant 80 : i32
      %lt3A_253 = arith.cmpi slt, %add3A_251, %lt3A_252 : i32
      %add3A_254 = arith.addi %mul3A_2, %add3A_251 : i32
      %lt3A_255 = arith.constant 2500 : i32
      %lt3A_256 = arith.cmpi slt, %add3A_254, %lt3A_255 : i32
      %and3A_257 = arith.andi %lt3A_253, %lt3A_256 : i1
      %convert_element_type3A_258 = arith.extui %and3A_257 : i1 to i32
      %cond3A_259 = arith.constant 0 : i32
      %cond3A_260 = arith.cmpi ne, %convert_element_type3A_258, %cond3A_259 : i32
      scf.if %cond3A_260 {
        %add3A_261 = arith.addi %mul3A_2, %add3A_251 : i32
        %mul3A_262 = arith.constant 128 : i32
        %mul3A_263 = arith.muli %add3A_261, %mul3A_262 : i32
        %dma_start3A_264 = tpu.memref_slice %arg4[%mul3A_263] : memref<327680xi32, #tpu.memory_space<hbm>> -> memref<128xi32, #tpu.memory_space<hbm>>
        %dma_start3A_265 = tpu.memref_slice %arg4[%mul3A_263] : memref<327680xi32, #tpu.memory_space<hbm>> -> memref<128xi32, #tpu.memory_space<hbm>>
        tpu.enqueue_dma source(%dma_start3A_265 : memref<128xi32, #tpu.memory_space<hbm>>) target(%arg14 : memref<128xi32, #tpu.memory_space<vmem>>) target_semaphore(%arg22 : memref<!tpu.dma_semaphore, #tpu.memory_space<semaphore_mem>>)
        %mul3A_266 = arith.constant 128 : i32
        %mul3A_267 = arith.muli %add3A_251, %mul3A_266 : i32
        %dma_start3A_268 = tpu.memref_slice %arg7[%mul3A_267] : memref<10240xi32, #tpu.memory_space<vmem>> -> memref<128xi32, #tpu.memory_space<vmem>>
        %dma_start3A_269 = arith.constant 0 : i32
        %dma_start3A_270 = arith.constant 0 : i32
        %dma_start3A_271 = tpu.memref_slice %arg15[%dma_start3A_269, %dma_start3A_270] : memref<10240x64xf32, #tpu.memory_space<vmem_shared>> -> memref<10240x64xf32, #tpu.memory_space<vmem_shared>>
        tpu.enqueue_indirect_dma source(%dma_start3A_271 : memref<10240x64xf32, #tpu.memory_space<vmem_shared>>) target(%arg11 : memref<128x64xf32, #tpu.memory_space<vmem>>) offsets(%dma_start3A_268 : memref<128xi32, #tpu.memory_space<vmem>>) semaphore(%arg19 : memref<!tpu.dma_semaphore, #tpu.memory_space<semaphore_mem>>)
      } else {
      }
    }
    %scan3A_172 = arith.constant 26 : i32
    %add3A_173 = arith.constant 78 : i32
    %add3A_174 = arith.addi %mul3A_2, %add3A_173 : i32
    %lt3A_175 = arith.constant 2500 : i32
    %lt3A_176 = arith.cmpi slt, %add3A_174, %lt3A_175 : i32
    %convert_element_type3A_177 = arith.extui %lt3A_176 : i1 to i32
    %cond3A_178 = arith.constant 0 : i32
    %cond3A_179 = arith.cmpi ne, %convert_element_type3A_177, %cond3A_178 : i32
    scf.if %cond3A_179 {
      %add3A_197 = arith.constant 78 : i32
      %add3A_198 = arith.addi %mul3A_2, %add3A_197 : i32
      %mul3A_199 = arith.constant 128 : i32
      %mul3A_200 = arith.muli %add3A_198, %mul3A_199 : i32
      %dma_wait3A_201 = tpu.memref_slice %arg4[%mul3A_200] : memref<327680xi32, #tpu.memory_space<hbm>> -> memref<128xi32, #tpu.memory_space<hbm>>
      %dma_wait3A_202 = tpu.memref_slice %arg4[%mul3A_200] : memref<327680xi32, #tpu.memory_space<hbm>> -> memref<128xi32, #tpu.memory_space<hbm>>
      tpu.wait_dma2 semaphore(%arg20 : memref<!tpu.dma_semaphore, #tpu.memory_space<semaphore_mem>>) src(%dma_wait3A_202 : memref<128xi32, #tpu.memory_space<hbm>>) dst(%arg12 : memref<128xi32, #tpu.memory_space<vmem>>)
      %dma_wait3A_203 = arith.constant 9984 : i32
      %dma_wait3A_204 = tpu.memref_slice %arg7[%dma_wait3A_203] : memref<10240xi32, #tpu.memory_space<vmem>> -> memref<128xi32, #tpu.memory_space<vmem>>
      %dma_wait3A_205 = arith.constant 0 : i32
      %dma_wait3A_206 = arith.constant 0 : i32
      %dma_wait3A_207 = tpu.memref_slice %arg15[%dma_wait3A_205, %dma_wait3A_206] : memref<10240x64xf32, #tpu.memory_space<vmem_shared>> -> memref<10240x64xf32, #tpu.memory_space<vmem_shared>>
      tpu.wait_indirect_dma semaphore(%arg17 : memref<!tpu.dma_semaphore, #tpu.memory_space<semaphore_mem>>) src(%dma_wait3A_207 : memref<10240x64xf32, #tpu.memory_space<vmem_shared>>) dst(%arg9 : memref<128x64xf32, #tpu.memory_space<vmem>>)
      "tpu.region"() ({
        %run_scoped3A = tpu.sem_alloc : memref<!tpu.dma_semaphore, #tpu.memory_space<semaphore_mem>>
        %dma_start3A_208 = arith.constant 0 : i32
        %dma_start3A_209 = arith.constant 0 : i32
        %dma_start3A_210 = tpu.memref_slice %arg16[%dma_start3A_208, %dma_start3A_209] : memref<10240x64xf32, #tpu.memory_space<vmem_shared>> -> memref<10240x64xf32, #tpu.memory_space<vmem_shared>>
        tpu.enqueue_indirect_dma source(%arg9 : memref<128x64xf32, #tpu.memory_space<vmem>>) target(%dma_start3A_210 : memref<10240x64xf32, #tpu.memory_space<vmem_shared>>) offsets(%arg12 : memref<128xi32, #tpu.memory_space<vmem>>) semaphore(%run_scoped3A : memref<!tpu.dma_semaphore, #tpu.memory_space<semaphore_mem>>) {add = true}
        %dma_wait3A_211 = arith.constant 0 : i32
        %dma_wait3A_212 = arith.constant 0 : i32
        %dma_wait3A_213 = tpu.memref_slice %arg16[%dma_wait3A_211, %dma_wait3A_212] : memref<10240x64xf32, #tpu.memory_space<vmem_shared>> -> memref<10240x64xf32, #tpu.memory_space<vmem_shared>>
        tpu.wait_indirect_dma semaphore(%run_scoped3A : memref<!tpu.dma_semaphore, #tpu.memory_space<semaphore_mem>>) src(%arg9 : memref<128x64xf32, #tpu.memory_space<vmem>>) dst(%dma_wait3A_213 : memref<10240x64xf32, #tpu.memory_space<vmem_shared>>)
        tpu.yield
      }) : () -> ()
    } else {
    }
    %add3A_180 = arith.constant 79 : i32
    %add3A_181 = arith.addi %mul3A_2, %add3A_180 : i32
    %lt3A_182 = arith.constant 2500 : i32
    %lt3A_183 = arith.cmpi slt, %add3A_181, %lt3A_182 : i32
    %convert_element_type3A_184 = arith.extui %lt3A_183 : i1 to i32
    %cond3A_185 = arith.constant 0 : i32
    %cond3A_186 = arith.cmpi ne, %convert_element_type3A_184, %cond3A_185 : i32
    scf.if %cond3A_186 {
      %add3A_197 = arith.constant 79 : i32
      %add3A_198 = arith.addi %mul3A_2, %add3A_197 : i32
      %mul3A_199 = arith.constant 128 : i32
      %mul3A_200 = arith.muli %add3A_198, %mul3A_199 : i32
      %dma_wait3A_201 = tpu.memref_slice %arg4[%mul3A_200] : memref<327680xi32, #tpu.memory_space<hbm>> -> memref<128xi32, #tpu.memory_space<hbm>>
      %dma_wait3A_202 = tpu.memref_slice %arg4[%mul3A_200] : memref<327680xi32, #tpu.memory_space<hbm>> -> memref<128xi32, #tpu.memory_space<hbm>>
      tpu.wait_dma2 semaphore(%arg21 : memref<!tpu.dma_semaphore, #tpu.memory_space<semaphore_mem>>) src(%dma_wait3A_202 : memref<128xi32, #tpu.memory_space<hbm>>) dst(%arg13 : memref<128xi32, #tpu.memory_space<vmem>>)
      %dma_wait3A_203 = arith.constant 10112 : i32
      %dma_wait3A_204 = tpu.memref_slice %arg7[%dma_wait3A_203] : memref<10240xi32, #tpu.memory_space<vmem>> -> memref<128xi32, #tpu.memory_space<vmem>>
      %dma_wait3A_205 = arith.constant 0 : i32
      %dma_wait3A_206 = arith.constant 0 : i32
      %dma_wait3A_207 = tpu.memref_slice %arg15[%dma_wait3A_205, %dma_wait3A_206] : memref<10240x64xf32, #tpu.memory_space<vmem_shared>> -> memref<10240x64xf32, #tpu.memory_space<vmem_shared>>
      tpu.wait_indirect_dma semaphore(%arg18 : memref<!tpu.dma_semaphore, #tpu.memory_space<semaphore_mem>>) src(%dma_wait3A_207 : memref<10240x64xf32, #tpu.memory_space<vmem_shared>>) dst(%arg10 : memref<128x64xf32, #tpu.memory_space<vmem>>)
      "tpu.region"() ({
        %run_scoped3A = tpu.sem_alloc : memref<!tpu.dma_semaphore, #tpu.memory_space<semaphore_mem>>
        %dma_start3A_208 = arith.constant 0 : i32
        %dma_start3A_209 = arith.constant 0 : i32
        %dma_start3A_210 = tpu.memref_slice %arg16[%dma_start3A_208, %dma_start3A_209] : memref<10240x64xf32, #tpu.memory_space<vmem_shared>> -> memref<10240x64xf32, #tpu.memory_space<vmem_shared>>
        tpu.enqueue_indirect_dma source(%arg10 : memref<128x64xf32, #tpu.memory_space<vmem>>) target(%dma_start3A_210 : memref<10240x64xf32, #tpu.memory_space<vmem_shared>>) offsets(%arg13 : memref<128xi32, #tpu.memory_space<vmem>>) semaphore(%run_scoped3A : memref<!tpu.dma_semaphore, #tpu.memory_space<semaphore_mem>>) {add = true}
        %dma_wait3A_211 = arith.constant 0 : i32
        %dma_wait3A_212 = arith.constant 0 : i32
        %dma_wait3A_213 = tpu.memref_slice %arg16[%dma_wait3A_211, %dma_wait3A_212] : memref<10240x64xf32, #tpu.memory_space<vmem_shared>> -> memref<10240x64xf32, #tpu.memory_space<vmem_shared>>
        tpu.wait_indirect_dma semaphore(%run_scoped3A : memref<!tpu.dma_semaphore, #tpu.memory_space<semaphore_mem>>) src(%arg10 : memref<128x64xf32, #tpu.memory_space<vmem>>) dst(%dma_wait3A_213 : memref<10240x64xf32, #tpu.memory_space<vmem_shared>>)
        tpu.yield
      }) : () -> ()
    } else {
    }
    %barrier3A_187 = arith.constant 0 : index
    tpu.barrier barrier_id(%barrier3A_187)
    %eq3A = arith.constant 0 : i32
    %eq3A_188 = arith.cmpi eq, %arg0, %eq3A : i32
    %convert_element_type3A_189 = arith.extui %eq3A_188 : i1 to i32
    %cond3A_190 = arith.constant 0 : i32
    %cond3A_191 = arith.cmpi ne, %convert_element_type3A_189, %cond3A_190 : i32
    scf.if %cond3A_191 {
      %mul3A_197 = arith.constant 640 : i32
      %mul3A_198 = arith.muli %arg1, %mul3A_197 : i32
      %mul3A_199 = arith.constant 640 : i32
      %mul3A_200 = arith.muli %arg1, %mul3A_199 : i32
      "tpu.region"() ({
        %run_scoped3A = tpu.sem_alloc : memref<!tpu.dma_semaphore, #tpu.memory_space<semaphore_mem>>
        %dma_start3A_201 = arith.constant 0 : i32
        %dma_start3A_202 = tpu.memref_slice %arg5[%mul3A_200, %dma_start3A_201] : memref<10240x64xf32, #tpu.memory_space<hbm>> -> memref<640x64xf32, #tpu.memory_space<hbm>>
        %dma_start3A_203 = arith.constant 0 : i32
        %dma_start3A_204 = tpu.memref_slice %arg16[%mul3A_198, %dma_start3A_203] : memref<10240x64xf32, #tpu.memory_space<vmem_shared>> -> memref<640x64xf32, #tpu.memory_space<vmem_shared>>
        tpu.enqueue_dma source(%dma_start3A_204 : memref<640x64xf32, #tpu.memory_space<vmem_shared>>) target(%dma_start3A_202 : memref<640x64xf32, #tpu.memory_space<hbm>>) target_semaphore(%run_scoped3A : memref<!tpu.dma_semaphore, #tpu.memory_space<semaphore_mem>>)
        %dma_wait3A_205 = arith.constant 0 : i32
        %dma_wait3A_206 = tpu.memref_slice %arg5[%mul3A_200, %dma_wait3A_205] : memref<10240x64xf32, #tpu.memory_space<hbm>> -> memref<640x64xf32, #tpu.memory_space<hbm>>
        %dma_wait3A_207 = arith.constant 0 : i32
        %dma_wait3A_208 = tpu.memref_slice %arg16[%mul3A_198, %dma_wait3A_207] : memref<10240x64xf32, #tpu.memory_space<vmem_shared>> -> memref<640x64xf32, #tpu.memory_space<vmem_shared>>
        tpu.wait_dma2 semaphore(%run_scoped3A : memref<!tpu.dma_semaphore, #tpu.memory_space<semaphore_mem>>) src(%dma_wait3A_208 : memref<640x64xf32, #tpu.memory_space<vmem_shared>>) dst(%dma_wait3A_206 : memref<640x64xf32, #tpu.memory_space<hbm>>)
        tpu.yield
      }) : () -> ()
    } else {
    }
    %eq3A_192 = arith.constant 1 : i32
    %eq3A_193 = arith.cmpi eq, %arg0, %eq3A_192 : i32
    %convert_element_type3A_194 = arith.extui %eq3A_193 : i1 to i32
    %cond3A_195 = arith.constant 0 : i32
    %cond3A_196 = arith.cmpi ne, %convert_element_type3A_194, %cond3A_195 : i32
    scf.if %cond3A_196 {
      %mul3A_197 = arith.constant 640 : i32
      %mul3A_198 = arith.muli %arg1, %mul3A_197 : i32
      %mul3A_199 = arith.constant 640 : i32
      %mul3A_200 = arith.muli %arg1, %mul3A_199 : i32
      "tpu.region"() ({
        %run_scoped3A = tpu.sem_alloc : memref<!tpu.dma_semaphore, #tpu.memory_space<semaphore_mem>>
        %dma_start3A_201 = arith.constant 0 : i32
        %dma_start3A_202 = tpu.memref_slice %arg6[%mul3A_200, %dma_start3A_201] : memref<10240x64xf32, #tpu.memory_space<hbm>> -> memref<640x64xf32, #tpu.memory_space<hbm>>
        %dma_start3A_203 = arith.constant 0 : i32
        %dma_start3A_204 = tpu.memref_slice %arg16[%mul3A_198, %dma_start3A_203] : memref<10240x64xf32, #tpu.memory_space<vmem_shared>> -> memref<640x64xf32, #tpu.memory_space<vmem_shared>>
        tpu.enqueue_dma source(%dma_start3A_204 : memref<640x64xf32, #tpu.memory_space<vmem_shared>>) target(%dma_start3A_202 : memref<640x64xf32, #tpu.memory_space<hbm>>) target_semaphore(%run_scoped3A : memref<!tpu.dma_semaphore, #tpu.memory_space<semaphore_mem>>)
        %dma_wait3A_205 = arith.constant 0 : i32
        %dma_wait3A_206 = tpu.memref_slice %arg6[%mul3A_200, %dma_wait3A_205] : memref<10240x64xf32, #tpu.memory_space<hbm>> -> memref<640x64xf32, #tpu.memory_space<hbm>>
        %dma_wait3A_207 = arith.constant 0 : i32
        %dma_wait3A_208 = tpu.memref_slice %arg16[%mul3A_198, %dma_wait3A_207] : memref<10240x64xf32, #tpu.memory_space<vmem_shared>> -> memref<640x64xf32, #tpu.memory_space<vmem_shared>>
        tpu.wait_dma2 semaphore(%run_scoped3A : memref<!tpu.dma_semaphore, #tpu.memory_space<semaphore_mem>>) src(%dma_wait3A_208 : memref<640x64xf32, #tpu.memory_space<vmem_shared>>) dst(%dma_wait3A_206 : memref<640x64xf32, #tpu.memory_space<hbm>>)
        tpu.yield
      }) : () -> ()
    } else {
    }
    return
  }
}

module attributes {stable_mosaic.version = 14 : i64} {
  func.func @_tc_a_body(%arg0: i32, %arg1: memref<1000x128xf32, #tpu.memory_space<vmem>>, %arg2: memref<2x32768xi32, #tpu.memory_space<vmem>>, %arg3: memref<64x128xf32, #tpu.memory_space<vmem>>, %arg4: memref<64x64xf32, #tpu.memory_space<vmem>>, %arg5: memref<1000x64xf32, #tpu.memory_space<vmem>>, %arg6: memref<1000x64xf32, #tpu.memory_space<vmem>>, %arg7: memref<32768xi32, #tpu.memory_space<vmem>>, %arg8: memref<32768xi32, #tpu.memory_space<vmem>>) attributes {dimension_semantics = [#tpu.dimension_semantics<arbitrary>], iteration_bounds = array<i64: 10>, scalar_prefetch = 0 : i64, scratch_operands = 0 : i64, tpu.core_type = #tpu.core_type<tc>, window_params = [{transform_indices = @transform_0, window_bounds = array<i64: 1000, 128>}, {transform_indices = @transform_1, window_bounds = array<i64: 2, 32768>}, {pipeline_mode = #tpu.pipeline_mode<synchronous>, transform_indices = @transform_2, window_bounds = array<i64: 64, 128>}, {pipeline_mode = #tpu.pipeline_mode<synchronous>, transform_indices = @transform_3, window_bounds = array<i64: 64, 64>}, {transform_indices = @transform_4, window_bounds = array<i64: 1000, 64>}, {transform_indices = @transform_5, window_bounds = array<i64: 1000, 64>}, {transform_indices = @transform_6, window_bounds = array<i64: 32768>}, {transform_indices = @transform_7, window_bounds = array<i64: 32768>}]} {
    %get3A = arith.constant 0 : index
    %get3A_0 = arith.constant 0 : index
    %get3A_1 = vector.load %arg1[%get3A, %get3A_0] : memref<1000x128xf32, #tpu.memory_space<vmem>>, vector<1000x128xf32>
    %get3A_2 = arith.constant 0 : index
    %get3A_3 = arith.constant 0 : index
    %get3A_4 = vector.load %arg3[%get3A_2, %get3A_3] : memref<64x128xf32, #tpu.memory_space<vmem>>, vector<64x128xf32>
    %dot_general3A = arith.constant dense<0.000000e+00> : vector<1000x64xf32>
    %dot_general3A_5 = tpu.matmul %get3A_1, %get3A_4, %dot_general3A {dimension_numbers = #tpu.dot_dimension_numbers<[1], [1], [0], [0], [0, 0, 1, 0], [], []>, transpose_lhs_hint = false} : vector<1000x128xf32>, vector<64x128xf32>, vector<1000x64xf32> -> vector<1000x64xf32>
    %swap3A = arith.constant 0 : index
    %swap3A_6 = arith.constant 0 : index
    %swap3A_7 = vector.load %arg5[%swap3A, %swap3A_6] : memref<1000x64xf32, #tpu.memory_space<vmem>>, vector<1000x64xf32>
    tpu.vector_store %arg5[%swap3A, %swap3A_6], %dot_general3A_5 {strides = array<i32>} : memref<1000x64xf32, #tpu.memory_space<vmem>>, vector<1000x64xf32>,
    %tanh3A = math.tanh %dot_general3A_5 : vector<1000x64xf32>
    %get3A_8 = arith.constant 0 : index
    %get3A_9 = arith.constant 0 : index
    %get3A_10 = vector.load %arg4[%get3A_8, %get3A_9] : memref<64x64xf32, #tpu.memory_space<vmem>>, vector<64x64xf32>
    %dot_general3A_11 = arith.constant dense<0.000000e+00> : vector<1000x64xf32>
    %dot_general3A_12 = tpu.matmul %tanh3A, %get3A_10, %dot_general3A_11 {dimension_numbers = #tpu.dot_dimension_numbers<[1], [1], [0], [0], [0, 0, 1, 0], [], []>, transpose_lhs_hint = false} : vector<1000x64xf32>, vector<64x64xf32>, vector<1000x64xf32> -> vector<1000x64xf32>
    %swap3A_13 = arith.constant 0 : index
    %swap3A_14 = arith.constant 0 : index
    %swap3A_15 = vector.load %arg6[%swap3A_13, %swap3A_14] : memref<1000x64xf32, #tpu.memory_space<vmem>>, vector<1000x64xf32>
    tpu.vector_store %arg6[%swap3A_13, %swap3A_14], %dot_general3A_12 {strides = array<i32>} : memref<1000x64xf32, #tpu.memory_space<vmem>>, vector<1000x64xf32>,
    %get3A_16 = arith.constant 0 : index
    %get3A_17 = arith.constant 0 : index
    %get3A_18 = vector.load %arg2[%get3A_16, %get3A_17] : memref<2x32768xi32, #tpu.memory_space<vmem>>, vector<1x32768xi32>
    %get3A_19 = vector.shape_cast %get3A_18 : vector<1x32768xi32> to vector<32768xi32>
    %swap3A_20 = arith.constant 0 : index
    %swap3A_21 = vector.load %arg7[%swap3A_20] : memref<32768xi32, #tpu.memory_space<vmem>>, vector<32768xi32>
    tpu.vector_store %arg7[%swap3A_20], %get3A_19 {strides = array<i32>} : memref<32768xi32, #tpu.memory_space<vmem>>, vector<32768xi32>,
    %get3A_22 = arith.constant 1 : index
    %get3A_23 = arith.constant 0 : index
    %get3A_24 = vector.load %arg2[%get3A_22, %get3A_23] : memref<2x32768xi32, #tpu.memory_space<vmem>>, vector<1x32768xi32>
    %get3A_25 = vector.shape_cast %get3A_24 : vector<1x32768xi32> to vector<32768xi32>
    %swap3A_26 = arith.constant 0 : index
    %swap3A_27 = vector.load %arg8[%swap3A_26] : memref<32768xi32, #tpu.memory_space<vmem>>, vector<32768xi32>
    tpu.vector_store %arg8[%swap3A_26], %get3A_25 {strides = array<i32>} : memref<32768xi32, #tpu.memory_space<vmem>>, vector<32768xi32>,
    return
  }
  func.func @transform_0(%arg0: i32) -> (i32, i32) {
    %c0_i32 = arith.constant 0 : i32
    %c0_i32_0 = arith.constant 0 : i32
    return %arg0, %c0_i32 : i32, i32
  }
  func.func @transform_1(%arg0: i32) -> (i32, i32) {
    %c0_i32 = arith.constant 0 : i32
    %c0_i32_0 = arith.constant 0 : i32
    return %c0_i32, %arg0 : i32, i32
  }
  func.func @transform_2(%arg0: i32) -> (i32, i32) {
    %c0_i32 = arith.constant 0 : i32
    %c0_i32_0 = arith.constant 0 : i32
    %c0_i32_1 = arith.constant 0 : i32
    return %c0_i32, %c0_i32_0 : i32, i32
  }
  func.func @transform_3(%arg0: i32) -> (i32, i32) {
    %c0_i32 = arith.constant 0 : i32
    %c0_i32_0 = arith.constant 0 : i32
    %c0_i32_1 = arith.constant 0 : i32
    return %c0_i32, %c0_i32_0 : i32, i32
  }
  func.func @transform_4(%arg0: i32) -> (i32, i32) {
    %c0_i32 = arith.constant 0 : i32
    %c0_i32_0 = arith.constant 0 : i32
    return %arg0, %c0_i32 : i32, i32
  }
  func.func @transform_5(%arg0: i32) -> (i32, i32) {
    %c0_i32 = arith.constant 0 : i32
    %c0_i32_0 = arith.constant 0 : i32
    return %arg0, %c0_i32 : i32, i32
  }
  func.func @transform_6(%arg0: i32) -> i32 {
    %c0_i32 = arith.constant 0 : i32
    return %arg0 : i32
  }
  func.func @transform_7(%arg0: i32) -> i32 {
    %c0_i32 = arith.constant 0 : i32
    return %arg0 : i32
  }
}

module attributes {stable_mosaic.version = 14 : i64} {
  func.func @_tc_b_body(%arg0: i32, %arg1: memref<1000x64xf32, #tpu.memory_space<vmem>>, %arg2: memref<1000x64xf32, #tpu.memory_space<vmem>>, %arg3: memref<1000x64xf32, #tpu.memory_space<vmem>>, %arg4: memref<1000x64xf32, #tpu.memory_space<vmem>>) attributes {dimension_semantics = [#tpu.dimension_semantics<arbitrary>], iteration_bounds = array<i64: 10>, scalar_prefetch = 0 : i64, scratch_operands = 0 : i64, tpu.core_type = #tpu.core_type<tc>, window_params = [{transform_indices = @transform_0, window_bounds = array<i64: 1000, 64>}, {transform_indices = @transform_1, window_bounds = array<i64: 1000, 64>}, {transform_indices = @transform_2, window_bounds = array<i64: 1000, 64>}, {transform_indices = @transform_3, window_bounds = array<i64: 1000, 64>}]} {
    %get3A = arith.constant 0 : index
    %get3A_0 = arith.constant 0 : index
    %get3A_1 = vector.load %arg2[%get3A, %get3A_0] : memref<1000x64xf32, #tpu.memory_space<vmem>>, vector<1000x64xf32>
    %get3A_2 = arith.constant 0 : index
    %get3A_3 = arith.constant 0 : index
    %get3A_4 = vector.load %arg3[%get3A_2, %get3A_3] : memref<1000x64xf32, #tpu.memory_space<vmem>>, vector<1000x64xf32>
    %add3A = arith.addf %get3A_1, %get3A_4 : vector<1000x64xf32>
    %get3A_5 = arith.constant 0 : index
    %get3A_6 = arith.constant 0 : index
    %get3A_7 = vector.load %arg1[%get3A_5, %get3A_6] : memref<1000x64xf32, #tpu.memory_space<vmem>>, vector<1000x64xf32>
    %max3A = arith.constant 0.000000e+00 : f32
    %max3A_8 = vector.broadcast %max3A : f32 to vector<1000x64xf32>
    %max3A_9 = arith.maximumf %add3A, %max3A_8 : vector<1000x64xf32>
    %add3A_10 = arith.addf %get3A_7, %max3A_9 : vector<1000x64xf32>
    %tanh3A = math.tanh %add3A_10 : vector<1000x64xf32>
    %swap3A = arith.constant 0 : index
    %swap3A_11 = arith.constant 0 : index
    %swap3A_12 = vector.load %arg4[%swap3A, %swap3A_11] : memref<1000x64xf32, #tpu.memory_space<vmem>>, vector<1000x64xf32>
    tpu.vector_store %arg4[%swap3A, %swap3A_11], %tanh3A {strides = array<i32>} : memref<1000x64xf32, #tpu.memory_space<vmem>>, vector<1000x64xf32>,
    return
  }
  func.func @transform_0(%arg0: i32) -> (i32, i32) {
    %c0_i32 = arith.constant 0 : i32
    %c0_i32_0 = arith.constant 0 : i32
    return %arg0, %c0_i32 : i32, i32
  }
  func.func @transform_1(%arg0: i32) -> (i32, i32) {
    %c0_i32 = arith.constant 0 : i32
    %c0_i32_0 = arith.constant 0 : i32
    return %arg0, %c0_i32 : i32, i32
  }
  func.func @transform_2(%arg0: i32) -> (i32, i32) {
    %c0_i32 = arith.constant 0 : i32
    %c0_i32_0 = arith.constant 0 : i32
    return %arg0, %c0_i32 : i32, i32
  }
  func.func @transform_3(%arg0: i32) -> (i32, i32) {
    %c0_i32 = arith.constant 0 : i32
    %c0_i32_0 = arith.constant 0 : i32
    return %arg0, %c0_i32 : i32, i32
  }
}

</mosaic_0001>

<sc_bundles>
// kernel: kernel.5.cloned.1.call-start
scs
__scs_entry_jumppad:
0x0: {  	(pc) =	sbr.rel $0x88, $3  }
0x1: {  	(tag) =	ssettag $0x0;
	lr =	simm.s32 $0x1  }
0x2: {  	[smem:$0x3F9D] =	sst lr;
	_ =	strace $0xD0000000  }
0x3: {  	_ = 	snop  }
0x4: {  	_ = 	snop  }
0x5: {  	_ = 	snop  }
0x6: {  	_ = 	snop  }
0x7: {  	_ = 	snop  }
__scs_overlays_trampoline_lowered:
0x8: {  	[smem:$0x3FAC] =	sst s0  }
0x9: {  	[smem:$0x3FAD] =	sst s1  }
0xa: {  	[smem:$0x3FAE] =	sst s2  }
0xb: {  	[smem:$0x3FAF] =	sst s3  }
0xc: {  	[smem:$0x3FB0] =	sst s4  }
0xd: {  	[smem:$0x3FB1] =	sst s5  }
0xe: {  	[smem:$0x3FB2] =	sst s6  }
0xf: {  	[smem:$0x3FB3] =	sst s7  }
0x10: {  	[smem:$0x3FB4] =	sst s8  }
0x11: {  	[smem:$0x3FB5] =	sst s9;
	s0 =	simm.s32 @!p0 $0x0  }
0x12: {  	s1 =	sld [smem:$0x3F9B];
	s0 =	simm.s32 @p0 $0x1  }
0x13: {  	[smem:$0x3FB6] =	sst s0;
	s0 =	simm.s32 @!p1 $0x0  }
0x14: {  	s2 =	sld [smem:$0x3F9A];
	s0 =	simm.s32 @p1 $0x1  }
0x15: {  	[smem:$0x3FB7] =	sst s0;
	s0 =	simm.s32 @!p2 $0x0  }
0x16: {  	s3 =	sld [smem:$0x3FDB];
	s0 =	simm.s32 @p2 $0x1  }
0x17: {  	s4 =	simm.s32 $0x1BF5;
	[smem:$0x3FB9] =	sst s0  }
0x18: {  	s0 =	sld [smem:$0x3F9C];
	_ =	swait.ge [sflag:s4], $0x0  }
0x19: {  	s7 =	sld [smem:$0x3F9D]  }
0x1a: {  	s8 =	sadd.s32 $0xFFFFE003, lr  }
0x1b: {  	s9 =	sadd.s32 $0xFFFFFEF7, lr;
	s5 =	simm.s32 $0xFFFFFFFF;
	p2 =	slt.u32 s8, $0xFFFFF086  }
0x1c: {  	p1 =	slt.u32 s9, $0xF7A;
	s5 =	simm.s32 @!p2 $0x0  }
0x1d: {  	s5 =	simm.s32 @p1 $0x1;
	p0 =	seq.s32 s7, s2  }
0x1e: {  	s7 =	smul.u32 @!p0 $0xF7A, s2;
	p2 =	seq.s32 @!p0 s5, $0x0  }
0x1f: {  	s9 =	smul.u32 $0xF7A, s1;
	s8 =	simm.s32 @!p0 $0x1BF5;
	p2 =	por !p2, p0  }
0x20: {  	[sflag:s8] =	ssyncset.s32 @!p0 $0xFFFFF086;
	s6 =	sadd.s32 @!p0 s3, s7;
	s7 =	simm.s32 @!p0 $0x108  }
0x21: {  	s3 =	sadd.s32 s3, s9;
	s6 =	sadd.s32 @!p0 $0x88, s6;
	s7 =	simm.s32 @p2 $0x1082  }
0x22: {  	[simem:s7], [sflag:s8] =	dma.local @!p0 [hbm:s6], $0xF7A  }
0x23: {  	s9 =	sor.u32 $0xD0000000, s2;
	s6 =	simm.s32 $0x108;
	_ =	swait.ge @!p0 [sflag:s8], $0x0  }
0x24: {  	s3 =	sadd.s32 $0x88, s3;
	s6 =	simm.s32 @!p1 $0x1082;
	[sflag:s4] =	ssyncset.s32 $0xFFFFF086  }
0x25: {  	[simem:s6], [sflag:s4] =	dma.local [hbm:s3], $0xF7A  }
0x26: {  	[smem:$0x3F9D] =	sst s1;
	(tag) =	ssettag s2;
	_ =	strace s9  }
0x27: {  	s1 =	sld [smem:$0x3FAD]  }
0x28: {  	s2 =	sld [smem:$0x3FAE]  }
0x29: {  	s4 =	sld [smem:$0x3FB0]  }
0x2a: {  	p0 =	seq.s32 s5, $0x0;
	s5 =	sld [smem:$0x3FB1]  }
0x2b: {  	s6 =	sld [smem:$0x3FB2]  }
0x2c: {  	s7 =	sld [smem:$0x3FB3]  }
0x2d: {  	s3 =	simm.s32 $0x108;
	s8 =	sld [smem:$0x3FB4]  }
0x2e: {  	s3 =	simm.s32 @!p0 $0x1082;
	s9 =	sld [smem:$0x3FB5]  }
0x2f: {  	lr =	sadd.s32 s0, s3;
	s0 =	sld [smem:$0x3FAC]  }
0x30: {  	s3 =	sld [smem:$0x3FAF]  }
0x31: {  	[smem:$0x3FB8] =	sst s10  }
0x32: {  	s10 =	sld [smem:$0x3FB6];
	_ =	sdelay $0x3  }
0x33: {  	p0 =	seq.s32 s10, $0x1;
	s10 =	sld [smem:$0x3FB8];
	_ =	sdelay $0x3  }
0x34: {  	[smem:$0x3FB8] =	sst s10  }
0x35: {  	s10 =	sld [smem:$0x3FB7];
	_ =	sdelay $0x3  }
0x36: {  	p1 =	seq.s32 s10, $0x1;
	s10 =	sld [smem:$0x3FB8];
	_ =	sdelay $0x3  }
0x37: {  	[smem:$0x3FB8] =	sst s10  }
0x38: {  	s10 =	sld [smem:$0x3FB9]  }
0x39: {  	_ = 	snop;
	(pc) =	sbr.ind lr, $3  }
0x3a: {  	_ = 	snop  }
0x3b: {  	_ = 	snop  }
0x3c: {  	p2 =	seq.s32 s10, $0x1;
	s10 =	sld [smem:$0x3FB8]  }
0x3d: {  	_ =	shalt  }
0x3e: {  	_ =	shalt  }
0x3f: {  	_ =	shalt  }
0x40: {  	_ =	shalt  }
0x41: {  	_ =	shalt  }
0x42: {  	_ =	shalt  }
0x43: {  	_ =	shalt  }
0x44: {  	_ =	shalt  }
0x45: {  	_ =	shalt  }
0x46: {  	_ =	shalt  }
0x47: {  	_ =	shalt  }
0x48: {  	_ =	shalt  }
0x49: {  	_ =	shalt  }
0x4a: {  	_ =	shalt  }
0x4b: {  	_ =	shalt  }
0x4c: {  	_ =	shalt  }
0x4d: {  	_ =	shalt  }
0x4e: {  	_ =	shalt  }
0x4f: {  	_ =	shalt  }
0x50: {  	_ =	shalt  }
0x51: {  	_ =	shalt  }
0x52: {  	_ =	shalt  }
0x53: {  	_ =	shalt  }
0x54: {  	_ =	shalt  }
0x55: {  	_ =	shalt  }
0x56: {  	_ =	shalt  }
0x57: {  	_ =	shalt  }
0x58: {  	_ =	shalt  }
0x59: {  	_ =	shalt  }
0x5a: {  	_ =	shalt  }
0x5b: {  	_ =	shalt  }
0x5c: {  	_ =	shalt  }
0x5d: {  	_ =	shalt  }
0x5e: {  	_ =	shalt  }
0x5f: {  	_ =	shalt  }
0x60: {  	_ =	shalt  }
0x61: {  	_ =	shalt  }
0x62: {  	_ =	shalt  }
0x63: {  	_ =	shalt  }
0x64: {  	_ =	shalt  }
0x65: {  	_ =	shalt  }
0x66: {  	_ =	shalt  }
0x67: {  	_ =	shalt  }
0x68: {  	_ =	shalt  }
0x69: {  	_ =	shalt  }
0x6a: {  	_ =	shalt  }
0x6b: {  	_ =	shalt  }
0x6c: {  	_ =	shalt  }
0x6d: {  	_ =	shalt  }
0x6e: {  	_ =	shalt  }
0x6f: {  	_ =	shalt  }
0x70: {  	_ =	shalt  }
0x71: {  	_ =	shalt  }
0x72: {  	_ =	shalt  }
0x73: {  	_ =	shalt  }
0x74: {  	_ =	shalt  }
0x75: {  	_ =	shalt  }
0x76: {  	_ =	shalt  }
0x77: {  	_ =	shalt  }
0x78: {  	_ =	shalt  }
0x79: {  	_ =	shalt  }
0x7a: {  	_ =	shalt  }
0x7b: {  	_ =	shalt  }
0x7c: {  	_ =	shalt  }
0x7d: {  	_ =	shalt  }
0x7e: {  	_ =	shalt  }
0x7f: {  	_ =	shalt  }
0x80: {  	_ =	shalt  }
0x81: {  	_ =	shalt  }
0x82: {  	_ =	shalt  }
0x83: {  	_ =	shalt  }
0x84: {  	_ =	shalt  }
0x85: {  	_ =	shalt  }
0x86: {  	_ =	shalt  }
0x87: {  	_ =	shalt  }
.Lfunc_end0:
.L_simem_size_0:
called_computation_lowered:
.L_overlay_start_0:
0x88: {  	s2 =	sld [smem:$0x3FD9]  }
0x89: {  	s3 =	sld [smem:$0x3FFE];
	_ =	sdelay $0x1  }
0x8a: {  	s1 =	srdreg.scid  }
0x8b: {  	s0 =	sand.u32 $0x1, s1  }
0x8c: {  	s17 =	sshll.u32 s0, $0xA;
	s2 =	sadd.s32 s3, s2  }
0x8d: {  	s2 =	sadd.s32 s2, s17  }
0x8e: {  	[smem:$0x3FC4] =	sst s2  }
0x8f: {  	_ = 	snop  }
0x90: {  	s2 =	sld [smem:$0x3FD0];
	(tm) =	ssettm $0x1  }
0x91: {  	s18 =	sld [smem:$0x3FFB];
	_ =	sdelay $0x3  }
0x92: {  	_ =	strace s18  }
0x93: {  	s3 =	sld [smem:$0x3FFC];
	_ =	sdelay $0x3  }
0x94: {  	_ =	strace s3  }
0x95: {  	s3 =	sld [smem:$0x3FFD];
	_ =	sdelay $0x3  }
0x96: {  	_ =	strace s3  }
0x97: {  	_ =	strace $0x8FFFFFFF  }
0x98: {  	s19 =	sld [smem:$0x3FDB];
	_ =	sdelay $0x1  }
0x99: {  	s4 =	simm.s32 $_scs_section_size  }
0x9a: {  	s5 =	simm.s32 $_size__tile_overlayer_lowered;
	s6 =	simm.s32 $_tile_overlayer_lowered  }
0x9b: {  	s22 =	simm.s32 $0x1BFF;
	s21 =	sshll.u32 s6, $0x1;
	s3 =	sadd.s32 s4, s19  }
0x9c: {  	s7 =	simm.s32 $0x0;
	s20 =	sshll.u32 s5, $0x1;
	s5 =	sadd.s32 s21, s3  }
0x9d: {  	[timem:s7], [sflag:s22] =	dma.local [hbm:s5], s20  }
0x9e: {  	_ =	swait.ge [sflag:s22], s20  }
0x9f: {  	s4 =	ssub.s32 $0x0, s20;
	[sflag:s22] =	ssyncset.done $0x0  }
0xa0: {  	[sflag:s22] =	ssyncadd.s32 s4;
	_ =	sdelay $0x1  }
0xa1: {  	s23 =	simm.s32 $0x1B8B  }
0xa2: {  	_ =	swait.ge [sflag:s23], $0x1  }
0xa3: {  	[sflag:s23] =	ssyncset.done $0x0  }
0xa4: {  	s25 =	simm.s32 $0x1B8E;
	s24 =	sld [smem:$0x3FFE];
	[sflag:s23] =	ssyncadd.s32 $0xFFFFFFFF  }
0xa5: {  	s26 =	simm.s32 $execute0_lowered;
	[smem:$0x3FD2] =	sst s25  }
0xa6: {  	s5 =	sshll.u32 s26, $0x1;
	_ =	strace $0x80000046;
	[dreg:$0x1] =	wrdreg $0xFFFFFFFF  }
0xa7: {  	s28 =	simm.s32 $_size_execute0_lowered;
	s3 =	sadd.s32 s3, s5;
	[dreg:$0x0] =	wrdreg $0x0  }
0xa8: {  	s5 =	sshll.u32 s28, $0x1;
	[dreg:$0x2] =	wrdreg s3  }
0xa9: {  	[dreg:$0x3] =	wrdreg s5  }
0xaa: {  	[dreg:$0x4] =	wrdreg $0xC0  }
0xab: {  	_ =	task [dreg:s7], $0x5FFFF  }
0xac: {  	[dreg:$0x1] =	wrdreg $0xFFFFFFFF  }
0xad: {  	[dreg:$0x0] =	wrdreg $0x60  }
0xae: {  	[dreg:$0x2] =	wrdreg s24  }
0xaf: {  	[dreg:$0x3] =	wrdreg s2  }
0xb0: {  	[dreg:$0x4] =	wrdreg $0x139800  }
0xb1: {  	[dreg:$0x5] =	wrdreg $0x99800  }
0xb2: {  	[dreg:$0x6] =	wrdreg $0x9  }
0xb3: {  	_ =	task.clear_ibuf [dreg:s7], $0x7FFFF;
	_ =	strace $0x90000046  }
0xb4: {  	s29 =	simm.s32 $0x9;
	_ =	strace $0x80000048  }
0xb5: {  	_ =	swait.ge [sflag:s29], $0x1  }
0xb6: {  	[sflag:s29] =	ssyncadd.s32 $0xFFFFFFFF  }
0xb7: {  	_ =	strace $0x90000048  }
0xb8: {  	_ =	sfence  }
0xb9: {  	s30 =	sld [smem:$0x0];
	_ =	sdelay $0x2  }
0xba: {  	s31 =	sshll.u32 s1, $0xD;
	s1 =	sshrl.u32 s1, $0x2  }
0xbb: {  	s3 =	sand.u32 $0x4000, s31;
	s1 =	sadd.s32 s1, s30  }
0xbc: {  	s0 =	sor.u32 s3, s0;
	s1 =	sshll.u32 s1, $0x11  }
0xbd: {  	s0 =	sor.u32 s1, s0  }
0xbe: {  	s0 =	sadd.s32 $0x8F2B, s0  }
0xbf: {  	[sflag:s0] =	ssyncadd.remote.s32 $0x1  }
0xc0: {  	_ =	sfence.sel $0xFFFF  }
0xc1: {  	[dreg:$0x0] =	wrdreg $0xFFFFFFFF;
	(pc) =	sbr.abs _section_cstart, $3  }
0xc2: {  	[dreg:$0x1] =	wrdreg $0xFFFFFFFF  }
0xc3: {  	_ =	task.clear_ibuf [dreg:s7], $0x2FFFF;
	_ =	strace $0x9FFFFFFF  }
0xc4: {  	(tm) =	ssettm $0x7FFFFFFF  }
0xc5: {  	_ =	shalt  }
tec
execute0_lowered:
.L_overlay_start_1:
0x0: {  	(tag) =	ssettag $0x1  }
0x1: {  	s0 =	rddreg [dreg:$0x0]  }
0x2: {  	s1 =	rddreg [dreg:$0x1]  }
0x3: {  	s2 =	rddreg [dreg:$0x2]  }
0x4: {  	s3 =	rddreg [dreg:$0x3]  }
0x5: {  	s4 =	simm.s32 $0x0;
	s15 =	stileid.u32;
	s5 =	srdreg.scid  }
0x6: {  	s28 =	simm.s32 $0x1;
	s29 =	simm.s32 $0x2;
	s6 =	smul.u32 $0xA000, s15  }
0x7: {  	s30 =	simm.s32 $0x3;
	[smem:$0x7FF] =	sst s4;
	s21 =	smul.u32 $0x28000, s15  }
0x8: {  	s8 =	sand.u32 $0x1, s5;
	s11 =	sshll.u32 s15, $0x1;
	s19 =	smul.u32 $0xA0, s15  }
0x9: {  	s18 =	sshll.u32 s15, $0x6;
	_ =	strace $0x80000047;
	s5 =	sshrl.u32 s21, $0x2  }
0xa: {  	s9 =	ssub.s32 $0x2, s8;
	s22 =	sor.u32 s8, s11;
	s24 =	sadd.s32 s5, s2  }
0xb: {  	p0 =	seq.s32 s8, $0x1;
	s7 =	sshrl.u32 s6, $0x3;
	s12 =	sadd.s32 $0x1000, s24  }
0xc: {  	s10 =	sshrl.u32 s9, $0x1;
	s25 =	sadd.s32 $0x2000, s24;
	[dreg:$0x6] =	wrdreg s12  }
0xd: {  	s17 =	smul.u32 $0x500, s22;
	s26 =	sadd.s32 $0x3000, s24;
	[dreg:$0x7] =	wrdreg s25  }
0xe: {  	s20 =	sadd.s32 s6, s3;
	s31 =	sadd.s32 $0x4000, s24;
	[dreg:$0x8] =	wrdreg s26  }
0xf: {  	s7 =	sadd.s32 s7, s0;
	s13 =	sadd.s32 $0x5000, s24;
	[dreg:$0x9] =	wrdreg s31  }
0x10: {  	s0 =	sadd.s32 $0x1800, s0;
	s14 =	sadd.s32 $0x6000, s24;
	[dreg:$0xa] =	wrdreg s13  }
0x11: {  	s9 =	ssub.s32 s9, s10;
	s16 =	sadd.s32 $0x7000, s24;
	[dreg:$0xb] =	wrdreg s14  }
0x12: {  	s5 =	sadd.s32 s6, s2;
	s11 =	sadd.s32 $0x9000, s24;
	[dreg:$0xc] =	wrdreg s16  }
0x13: {  	s1 =	sadd.s32 s1, s17;
	[dreg:$0xe] =	wrdreg s11;
	s14 =	smul.u32 $0x50, s8  }
0x14: {  	s13 =	sadd.s32 $0x8000, s24;
	[dreg:$0xf] =	wrdreg s1;
	s25 =	smul.u32 $0xA00, s15  }
0x15: {  	s26 =	smul.u32 $0x500, s8;
	s31 =	sor.u32 $0x1C03, s18;
	[dreg:$0xd] =	wrdreg s13  }
0x16: {  	s1 =	simm.s32 $0x7;
	s13 =	simm.s32 $0x1F800;
	[dreg:$0x12] =	wrdreg s31  }
0x17: {  	s13 =	simm.s32 @!p0 $0x33800;
	s24 =	sadd.s32 s14, s19;
	s19 =	sadd.s32 s0, s17  }
0x18: {  	s0 =	sadd.s32 s25, s0;
	p0 =	seq.s32 s22, $0x1F;
	s25 =	sshrl.u32 s20, $0x3  }
0x19: {  	s23 =	sadd.s32 s13, s7;
	s7 =	sadd.s32 $0xB800, s7;
	[dreg:$0x5] =	wrdreg s24  }
0x1a: {  	s0 =	sadd.s32 s26, s0;
	s21 =	sadd.s32 $0x10, s19;
	[dreg:$0x10] =	wrdreg s23  }
0x1b: {  	s22 =	sadd.s32 $0x20, s19;
	s26 =	simm.s32 $0x2800;
	[dreg:$0x11] =	wrdreg s7  }
0x1c: {  	v0 =	vimm.f32 $0.0e+00;
	s23 =	smax.u32 s9, $0x1;
	s10 =	sadd.s32 $0x50, s0;
	s0 =	simm.s32 $0x80  }
.LBB2_1:
0x1d: {  	s7 =	simm.s32 $0x100;
	s6 =	simm.s32 $0x0  }
.LBB2_2:
0x1e: {  	p1 =	sne.s32 s7, $0x3F00;
	[tilespmem:s6+$0x2830] =	vst v0;
	s8 =	smov.u32 s7;
	s7 =	sadd.s32 $0x100, s7  }
.Ltmp0:
0x1f: {  	[tilespmem:s6+$0x2820] =	vst v0;
	(pc) =	sbr.rel @p1 .LBB2_2-.Ltmp0, $3  }
0x20: {  	[tilespmem:s6+$0x2800] =	vst v0  }
0x21: {  	[tilespmem:s6+$0x2810] =	vst v0;
	_ =	sdelay $0x1  }
0x22: {  	s6 =	sshra.s32 s8, $0x2  }
0x23: {  	[tilespmem:s6+$0x2830] =	vst v0  }
0x24: {  	[tilespmem:s6+$0x2820] =	vst v0  }
0x25: {  	[tilespmem:s6+$0x2800] =	vst v0;
	s7 =	rddreg [dreg:$0x6]  }
0x26: {  	[tilespmem:s6+$0x2810] =	vst v0;
	s8 =	rddreg [dreg:$0x7]  }
0x27: {  	[spmem:s5] =	stream.linear.scatter [tilespmem:s26], [sflag:$0x1], $0x1000, $0x38;
	[tilespmem:$0x1D980] =	vst v63  }
0x28: {  	s9 =	rddreg [dreg:$0x8]  }
0x29: {  	[spmem:s7] =	stream.linear.scatter [tilespmem:s26], [sflag:$0x1], $0x1000, $0x38;
	[tilespmem:$0x1D980] =	vst v63  }
0x2a: {  	s11 =	rddreg [dreg:$0x9]  }
0x2b: {  	[spmem:s8] =	stream.linear.scatter [tilespmem:s26], [sflag:$0x1], $0x1000, $0x38;
	[tilespmem:$0x1D980] =	vst v63  }
0x2c: {  	s12 =	rddreg [dreg:$0xa]  }
0x2d: {  	[spmem:s9] =	stream.linear.scatter [tilespmem:s26], [sflag:$0x1], $0x1000, $0x38;
	[tilespmem:$0x1D980] =	vst v63  }
0x2e: {  	s13 =	rddreg [dreg:$0xb]  }
0x2f: {  	[spmem:s11] =	stream.linear.scatter [tilespmem:s26], [sflag:$0x1], $0x1000, $0x38;
	[tilespmem:$0x1D980] =	vst v63  }
0x30: {  	s14 =	rddreg [dreg:$0xc]  }
0x31: {  	[spmem:s12] =	stream.linear.scatter [tilespmem:s26], [sflag:$0x1], $0x1000, $0x38;
	[tilespmem:$0x1D980] =	vst v63  }
0x32: {  	s15 =	rddreg [dreg:$0xd]  }
0x33: {  	[spmem:s13] =	stream.linear.scatter [tilespmem:s26], [sflag:$0x1], $0x1000, $0x38;
	[tilespmem:$0x1D980] =	vst v63  }
0x34: {  	s16 =	rddreg [dreg:$0xe]  }
0x35: {  	[spmem:s14] =	stream.linear.scatter [tilespmem:s26], [sflag:$0x1], $0x1000, $0x38;
	[tilespmem:$0x1D980] =	vst v63  }
0x36: {  	s20 =	rddreg [dreg:$0x11]  }
0x37: {  	[spmem:s15] =	stream.linear.scatter [tilespmem:s26], [sflag:$0x1], $0x1000, $0x38;
	[tilespmem:$0x1D980] =	vst v63  }
0x38: {  	s7 =	rddreg [dreg:$0xf]  }
0x39: {  	[spmem:s16] =	stream.linear.scatter [tilespmem:s26], [sflag:$0x1], $0x1000, $0x38;
	[tilespmem:$0x1D980] =	vst v63  }
0x3a: {  	s17 =	simm.s32 $0x0;
	s8 =	rddreg [dreg:$0x12]  }
0x3b: {  	[tilespmem:s17], [sflag:$0x2] =	stream.linear.gather [hbm4b:s7+s17], $0x2800, $0x38;
	[tilespmem:$0x1D980] =	vst v63  }
0x3c: {  	[spmem:s25], [sflag:s8] =	dma.local [hbm:s20], $0x1400  }
0x3d: {  	_ =	swait.ge [sflag:s28], $0x1000  }
0x3e: {  	[sflag:s28] =	ssyncset.done $0x0  }
0x3f: {  	[sflag:s28] =	ssyncadd.s32 $0xFFFFF000  }
0x40: {  	_ =	swait.ge [sflag:s28], $0x1000  }
0x41: {  	[sflag:s28] =	ssyncset.done $0x0  }
0x42: {  	[sflag:s28] =	ssyncadd.s32 $0xFFFFF000  }
0x43: {  	_ =	swait.ge [sflag:s28], $0x1000  }
0x44: {  	[sflag:s28] =	ssyncset.done $0x0  }
0x45: {  	[sflag:s28] =	ssyncadd.s32 $0xFFFFF000  }
0x46: {  	_ =	swait.ge [sflag:s28], $0x1000  }
0x47: {  	[sflag:s28] =	ssyncset.done $0x0  }
0x48: {  	[sflag:s28] =	ssyncadd.s32 $0xFFFFF000  }
0x49: {  	_ =	swait.ge [sflag:s28], $0x1000  }
0x4a: {  	[sflag:s28] =	ssyncset.done $0x0  }
0x4b: {  	[sflag:s28] =	ssyncadd.s32 $0xFFFFF000  }
0x4c: {  	_ =	swait.ge [sflag:s28], $0x1000  }
0x4d: {  	[sflag:s28] =	ssyncset.done $0x0  }
0x4e: {  	[sflag:s28] =	ssyncadd.s32 $0xFFFFF000  }
0x4f: {  	_ =	swait.ge [sflag:s28], $0x1000  }
0x50: {  	[sflag:s28] =	ssyncset.done $0x0  }
0x51: {  	[sflag:s28] =	ssyncadd.s32 $0xFFFFF000  }
0x52: {  	_ =	swait.ge [sflag:s28], $0x1000  }
0x53: {  	[sflag:s28] =	ssyncset.done $0x0  }
0x54: {  	[sflag:s28] =	ssyncadd.s32 $0xFFFFF000  }
0x55: {  	_ =	swait.ge [sflag:s28], $0x1000  }
0x56: {  	[sflag:s28] =	ssyncset.done $0x0  }
0x57: {  	[sflag:s28] =	ssyncadd.s32 $0xFFFFF000  }
0x58: {  	_ =	swait.ge [sflag:s28], $0x1000  }
0x59: {  	[sflag:s28] =	ssyncset.done $0x0  }
0x5a: {  	[sflag:s28] =	ssyncadd.s32 $0xFFFFF000  }
0x5b: {  	_ =	swait.ge [sflag:s29], $0x2800  }
0x5c: {  	[sflag:s29] =	ssyncset.done $0x0  }
0x5d: {  	[sflag:s29] =	ssyncadd.s32 $0xFFFFD800  }
0x5e: {  	_ =	swait.ge [sflag:s30], $0x1400  }
0x5f: {  	[sflag:s30] =	ssyncset.done $0x0  }
0x60: {  	[sflag:s30] =	ssyncadd.s32 $0xFFFFEC00  }
0x61: {  	s24 =	simm.s32 $0x9800;
	[bflag:$0x0] =	sbarrier.arrive $0xFFFF  }
0x62: {  	[tilespmem:s24], [sflag:$0x4] =	stream.linear.gather [hbm4b:s19+s17], $0x80, $0x38;
	[tilespmem:$0x1D980] =	vst v63  }
0x63: {  	s8 =	simm.s32 $0x3800  }
0x64: {  	[tilespmem:s8], [sflag:$0x1] =	stream.indirect.gather [spmem:s3], $0x40, s17, s0, $0xb8;
	[tilespmem:$0x1D980] =	vst v63  }
0x65: {  	s9 =	simm.s32 $0x9880;
	s13 =	rddreg [dreg:$0x5]  }
0x66: {  	[tilespmem:s9], [sflag:$0x5] =	stream.linear.gather [hbm4b:s21+s17], $0x80, $0x38;
	[tilespmem:$0x1D980] =	vst v63  }
0x67: {  	s11 =	simm.s32 $0x5800;
	s9 =	sadd.s32 $0x0, s13  }
0x68: {  	[tilespmem:s11], [sflag:$0x2] =	stream.indirect.gather [spmem:s3], $0x40, s0, s0, $0xb8;
	[tilespmem:$0x1D980] =	vst v63  }
0x69: {  	s12 =	simm.s32 $0x9900;
	p1 =	sgt.u32 s9, $0x9C3  }
0x6a: {  	[tilespmem:s12], [sflag:$0x6] =	stream.linear.gather [hbm4b:s22+s17], $0x80, $0x38;
	[tilespmem:$0x1D980] =	vst v63  }
0x6b: {  	s14 =	simm.s32 $0x100;
	s15 =	simm.s32 $0x7800;
	s6 =	simm.s32 @!p1 $0x4  }
0x6c: {  	[tilespmem:s15], [sflag:$0x3] =	stream.indirect.gather [spmem:s3], $0x40, s14, s0, $0xb8;
	[tilespmem:$0x1D980] =	vst v63  }
0x6d: {  	_ =	swait.ge @!p1 [sflag:s6], $0x80  }
0x6e: {  	[sflag:s6] =	ssyncset.done @!p1 $0x0  }
0x6f: {  	s16 =	sadd.s32 $0x3, s9;
	s8 =	simm.s32 @!p1 $0x1;
	[sflag:s6] =	ssyncadd.s32 @!p1 $0xFFFFFF80  }
0x70: {  	p2 =	sgt.u32 s16, $0x9C3;
	_ =	swait.ge @!p1 [sflag:s8], $0x2000  }
0x71: {  	s7 =	simm.s32 @!p1 $0x7;
	s11 =	simm.s32 @!p1 $0x9800;
	[sflag:s8] =	ssyncset.done @!p1 $0x0  }
0x72: {  	s6 =	simm.s32 @!p1 $0x3800;
	[sflag:s8] =	ssyncadd.s32 @!p1 $0xFFFFE000;
	s8 =	simm.s32 @!p1 $0x80  }
0x73: {  	[spmem:s2] =	stream.indirect.scatter.add.f32 @!p1 [tilespmem:s6], [sflag:$0x7], $0x40, s11, s8, $0xb8;
	[tilespmem:$0x1D980] =	vst v63  }
0x74: {  	s13 =	simm.s32 @!p2 $0x180;
	s17 =	sadd.s32 $0x1, s9;
	_ =	swait.ge @!p1 [sflag:s7], $0x2000  }
0x75: {  	s12 =	simm.s32 @!p2 $0x9800;
	s8 =	sadd.s32 @!p2 $0xFFFFFFE0, s10;
	[sflag:s7] =	ssyncset.done @!p1 $0x0  }
0x76: {  	s11 =	simm.s32 @!p2 $0x0;
	[sflag:s7] =	ssyncadd.s32 @!p1 $0xFFFFE000;
	p1 =	sgt.u32 s17, $0x9C3  }
0x77: {  	[tilespmem:s12], [sflag:$0x4] =	stream.linear.gather @!p2 [hbm4b:s8+s11], $0x80, $0x38;
	[tilespmem:$0x1D980] =	vst v63  }
0x78: {  	s6 =	simm.s32 @!p2 $0x80;
	s7 =	simm.s32 @!p2 $0x3800;
	s8 =	simm.s32 @!p1 $0x5  }
0x79: {  	[tilespmem:s7], [sflag:$0x1] =	stream.indirect.gather @!p2 [spmem:s3], $0x40, s13, s6, $0xb8;
	[tilespmem:$0x1D980] =	vst v63  }
0x7a: {  	s31 =	sadd.s32 $0x30, s10;
	s24 =	sadd.s32 $0x2, s9;
	_ =	swait.ge @!p1 [sflag:s8], $0x80  }
0x7b: {  	s20 =	sadd.s32 $0x4, s9;
	p4 =	sgt.u32 s24, $0x9C3;
	[sflag:s8] =	ssyncset.done @!p1 $0x0  }
0x7c: {  	s24 =	smov.u32 s10;
	s6 =	simm.s32 @!p1 $0x2;
	[sflag:s8] =	ssyncadd.s32 @!p1 $0xFFFFFF80  }
0x7d: {  	s9 =	sadd.s32 $0x5, s9;
	s15 =	simm.s32 @!p4 $0x9900;
	_ =	swait.ge @!p1 [sflag:s6], $0x2000  }
0x7e: {  	s12 =	simm.s32 @!p1 $0x5800;
	s14 =	simm.s32 @!p1 $0x9880;
	[sflag:s6] =	ssyncset.done @!p1 $0x0  }
0x7f: {  	s13 =	simm.s32 @!p1 $0x80;
	[sflag:s6] =	ssyncadd.s32 @!p1 $0xFFFFE000;
	s6 =	simm.s32 @!p1 $0x7  }
0x80: {  	[spmem:s2] =	stream.indirect.scatter.add.f32 @!p1 [tilespmem:s12], [sflag:$0x7], $0x40, s14, s13, $0xb8;
	[tilespmem:$0x1D980] =	vst v63  }
0x81: {  	s7 =	simm.s32 $0x280;
	p2 =	sgt.u32 s20, $0x9C3;
	_ =	swait.ge @!p1 [sflag:s6], $0x2000  }
0x82: {  	s11 =	simm.s32 @!p2 $0x5800;
	s8 =	sadd.s32 @!p2 $0xFFFFFFF0, s10;
	[sflag:s6] =	ssyncset.done @!p1 $0x0  }
0x83: {  	s12 =	simm.s32 @!p2 $0x9880;
	[sflag:s6] =	ssyncadd.s32 @!p1 $0xFFFFE000;
	s6 =	simm.s32 @!p2 $0x0  }
0x84: {  	[tilespmem:s12], [sflag:$0x5] =	stream.linear.gather @!p2 [hbm4b:s8+s6], $0x80, $0x38;
	[tilespmem:$0x1D980] =	vst v63  }
0x85: {  	s13 =	simm.s32 @!p4 $0x6;
	s6 =	simm.s32 @!p2 $0x200;
	s8 =	simm.s32 @!p2 $0x80  }
0x86: {  	[tilespmem:s11], [sflag:$0x2] =	stream.indirect.gather @!p2 [spmem:s3], $0x40, s6, s8, $0xb8;
	[tilespmem:$0x1D980] =	vst v63  }
0x87: {  	s14 =	simm.s32 @!p4 $0x80;
	s12 =	simm.s32 @!p4 $0x3;
	_ =	swait.ge @!p4 [sflag:s13], $0x80  }
0x88: {  	s6 =	simm.s32 $0x3;
	s8 =	simm.s32 $0x6;
	[sflag:s13] =	ssyncset.done @!p4 $0x0  }
0x89: {  	p2 =	por $0x0, $0x0;
	s11 =	simm.s32 @!p4 $0x7;
	[sflag:s13] =	ssyncadd.s32 @!p4 $0xFFFFFF80  }
0x8a: {  	p1 =	sgt.u32 @!p2 s9, $0x9C3;
	p3 =	por p2, p2;
	_ =	swait.ge @!p4 [sflag:s12], $0x2000  }
0x8b: {  	s9 =	simm.s32 $0x280;
	s13 =	simm.s32 @!p4 $0x7800;
	[sflag:s12] =	ssyncset.done @!p4 $0x0  }
.LBB2_4:
0x8c: {  	[sflag:s12] =	ssyncadd.s32 @!p4 $0xFFFFE000;
	s7 =	sadd.s32 $0x180, s7  }
0x8d: {  	[spmem:s2] =	stream.indirect.scatter.add.f32 @!p4 [tilespmem:s13], [sflag:$0x7], $0x40, s15, s14, $0xb8;
	[tilespmem:$0x1D980] =	vst v63  }
0x8e: {  	s16 =	smov.u32 s8;
	p1 =	por p1, p3;
	_ =	swait.ge @!p4 [sflag:s11], $0x2000  }
0x8f: {  	s13 =	simm.s32 @!p1 $0x9900;
	s14 =	rddreg [dreg:$0x5];
	[sflag:s11] =	ssyncset.done @!p4 $0x0  }
0x90: {  	[sflag:s11] =	ssyncadd.s32 @!p4 $0xFFFFE000;
	s11 =	simm.s32 @!p1 $0x0;
	s15 =	sadd.s32 s6, s14  }
0x91: {  	[tilespmem:s13], [sflag:$0x6] =	stream.linear.gather @!p1 [hbm4b:s24+s11], $0x80, $0x38;
	[tilespmem:$0x1D980] =	vst v63  }
0x92: {  	p5 =	seq.s32 s6, $0x4B;
	s14 =	simm.s32 @!p1 $0x7800;
	p4 =	sgt.u32 s15, $0x9C3  }
0x93: {  	s13 =	simm.s32 @!p1 $0x80;
	s20 =	sadd.s32 $0x3, s15;
	s24 =	simm.s32 @!p4 $0x4  }
0x94: {  	[tilespmem:s14], [sflag:$0x3] =	stream.indirect.gather @!p1 [spmem:s3], $0x40, s9, s13, $0xb8;
	[tilespmem:$0x1D980] =	vst v63  }
0x95: {  	s17 =	sadd.s32 $0x1, s15;
	s11 =	sadd.s32 $0x4, s15;
	_ =	swait.ge @!p4 [sflag:s24], $0x80  }
0x96: {  	s12 =	sadd.s32 $0x2, s15;
	s6 =	sadd.s32 $0x5, s15;
	[sflag:s24] =	ssyncset.done @!p4 $0x0  }
0x97: {  	p6 =	sgt.u32 s20, $0x9C3;
	s13 =	simm.s32 @!p4 $0x1;
	[sflag:s24] =	ssyncadd.s32 @!p4 $0xFFFFFF80  }
0x98: {  	s15 =	simm.s32 @!p4 $0x7;
	p1 =	sgt.u32 @!p5 s6, $0x9C3;
	_ =	swait.ge @!p4 [sflag:s13], $0x2000  }
0x99: {  	s6 =	smov.u32 s16;
	s14 =	simm.s32 @!p4 $0x3800;
	[sflag:s13] =	ssyncset.done @!p4 $0x0  }
0x9a: {  	s16 =	simm.s32 @!p4 $0x9800;
	[sflag:s13] =	ssyncadd.s32 @!p4 $0xFFFFE000;
	s13 =	simm.s32 @!p4 $0x80  }
0x9b: {  	[spmem:s2] =	stream.indirect.scatter.add.f32 @!p4 [tilespmem:s14], [sflag:$0x7], $0x40, s16, s13, $0xb8;
	[tilespmem:$0x1D980] =	vst v63  }
0x9c: {  	p3 =	por p5, p5;
	s20 =	sadd.s32 @!p6 $0xFFFFFF00, s7;
	_ =	swait.ge @!p4 [sflag:s15], $0x2000  }
0x9d: {  	p5 =	sgt.u32 s17, $0x9C3;
	s13 =	sadd.s32 @!p6 $0xFFFFFFE0, s31;
	[sflag:s15] =	ssyncset.done @!p4 $0x0  }
0x9e: {  	s14 =	simm.s32 @!p6 $0x0;
	s16 =	simm.s32 @!p6 $0x9800;
	[sflag:s15] =	ssyncadd.s32 @!p4 $0xFFFFE000  }
0x9f: {  	[tilespmem:s16], [sflag:$0x4] =	stream.linear.gather @!p6 [hbm4b:s13+s14], $0x80, $0x38;
	[tilespmem:$0x1D980] =	vst v63  }
0xa0: {  	s15 =	simm.s32 @!p6 $0x80;
	s13 =	simm.s32 @!p6 $0x3800;
	s14 =	simm.s32 @!p5 $0x5  }
0xa1: {  	[tilespmem:s13], [sflag:$0x1] =	stream.indirect.gather @!p6 [spmem:s3], $0x40, s20, s15, $0xb8;
	[tilespmem:$0x1D980] =	vst v63  }
0xa2: {  	_ =	swait.ge @!p5 [sflag:s14], $0x80  }
0xa3: {  	[sflag:s14] =	ssyncset.done @!p5 $0x0  }
0xa4: {  	s8 =	sadd.s32 $0x3, s8;
	s13 =	simm.s32 @!p5 $0x2;
	[sflag:s14] =	ssyncadd.s32 @!p5 $0xFFFFFF80  }
0xa5: {  	p2 =	sne.s32 s8, $0x4E;
	_ =	swait.ge @!p5 [sflag:s13], $0x2000  }
0xa6: {  	s16 =	simm.s32 @!p5 $0x9880;
	s15 =	simm.s32 @!p5 $0x80;
	[sflag:s13] =	ssyncset.done @!p5 $0x0  }
0xa7: {  	s14 =	simm.s32 @!p5 $0x5800;
	[sflag:s13] =	ssyncadd.s32 @!p5 $0xFFFFE000;
	s13 =	simm.s32 @!p5 $0x7  }
0xa8: {  	[spmem:s2] =	stream.indirect.scatter.add.f32 @!p5 [tilespmem:s14], [sflag:$0x7], $0x40, s16, s15, $0xb8;
	[tilespmem:$0x1D980] =	vst v63  }
0xa9: {  	p4 =	sgt.u32 s12, $0x9C3;
	p6 =	sgt.u32 s11, $0x9C3;
	_ =	swait.ge @!p5 [sflag:s13], $0x2000  }
0xaa: {  	s11 =	sadd.s32 @!p6 $0xFFFFFFF0, s31;
	s12 =	simm.s32 @!p6 $0x5800;
	[sflag:s13] =	ssyncset.done @!p5 $0x0  }
0xab: {  	s14 =	simm.s32 @!p6 $0x9880;
	[sflag:s13] =	ssyncadd.s32 @!p5 $0xFFFFE000;
	s13 =	simm.s32 @!p6 $0x0  }
0xac: {  	[tilespmem:s14], [sflag:$0x5] =	stream.linear.gather @!p6 [hbm4b:s11+s13], $0x80, $0x38;
	[tilespmem:$0x1D980] =	vst v63  }
0xad: {  	s11 =	sadd.s32 @!p6 $0xFFFFFF80, s7;
	s13 =	simm.s32 @!p6 $0x80;
	s14 =	simm.s32 @!p4 $0x6  }
0xae: {  	[tilespmem:s12], [sflag:$0x2] =	stream.indirect.gather @!p6 [spmem:s3], $0x40, s11, s13, $0xb8;
	[tilespmem:$0x1D980] =	vst v63  }
.Ltmp1:
0xaf: {  	_ =	swait.ge @!p4 [sflag:s14], $0x80;
	(pc) =	sbr.rel @p2 .LBB2_4-.Ltmp1, $4  }
0xb0: {  	s9 =	smov.u32 s7;
	s24 =	smov.u32 s31;
	[sflag:s14] =	ssyncset.done @!p4 $0x0  }
0xb1: {  	s31 =	sadd.s32 $0x30, s31;
	s12 =	simm.s32 @!p4 $0x3;
	[sflag:s14] =	ssyncadd.s32 @!p4 $0xFFFFFF80  }
0xb2: {  	s15 =	simm.s32 @!p4 $0x9900;
	s11 =	simm.s32 @!p4 $0x7;
	_ =	swait.ge @!p4 [sflag:s12], $0x2000  }
0xb3: {  	s13 =	simm.s32 @!p4 $0x7800;
	s14 =	simm.s32 @!p4 $0x80;
	[sflag:s12] =	ssyncset.done @!p4 $0x0  }
0xb4: {  	[sflag:s12] =	ssyncadd.s32 @!p4 $0xFFFFE000  }
0xb5: {  	[spmem:s2] =	stream.indirect.scatter.add.f32 @!p4 [tilespmem:s13], [sflag:$0x7], $0x40, s15, s14, $0xb8;
	[tilespmem:$0x1D980] =	vst v63  }
0xb6: {  	p2 =	por p1, p3;
	_ =	swait.ge @!p4 [sflag:s11], $0x2000  }
0xb7: {  	s12 =	simm.s32 @!p2 $0x9900;
	s8 =	rddreg [dreg:$0x5];
	[sflag:s11] =	ssyncset.done @!p4 $0x0  }
0xb8: {  	[sflag:s11] =	ssyncadd.s32 @!p4 $0xFFFFE000;
	s11 =	simm.s32 @!p2 $0x0;
	s8 =	sadd.s32 s6, s8  }
0xb9: {  	[tilespmem:s12], [sflag:$0x6] =	stream.linear.gather @!p2 [hbm4b:s24+s11], $0x80, $0x38;
	[tilespmem:$0x1D980] =	vst v63  }
0xba: {  	p1 =	sgt.u32 s8, $0x9C3  }
0xbb: {  	s11 =	simm.s32 @!p2 $0x80;
	s12 =	simm.s32 @!p2 $0x7800;
	s13 =	simm.s32 @!p1 $0x4  }
0xbc: {  	[tilespmem:s12], [sflag:$0x3] =	stream.indirect.gather @!p2 [spmem:s3], $0x40, s9, s11, $0xb8;
	[tilespmem:$0x1D980] =	vst v63  }
0xbd: {  	_ =	swait.ge @!p1 [sflag:s13], $0x80  }
0xbe: {  	[sflag:s13] =	ssyncset.done @!p1 $0x0  }
0xbf: {  	s20 =	sadd.s32 $0x3, s8;
	s11 =	simm.s32 @!p1 $0x1;
	[sflag:s13] =	ssyncadd.s32 @!p1 $0xFFFFFF80  }
0xc0: {  	s7 =	sadd.s32 $0x180, s7;
	p3 =	sgt.u32 s20, $0x9C3;
	_ =	swait.ge @!p1 [sflag:s11], $0x2000  }
0xc1: {  	s9 =	simm.s32 @!p1 $0x3800;
	s12 =	simm.s32 @!p1 $0x7;
	[sflag:s11] =	ssyncset.done @!p1 $0x0  }
0xc2: {  	s13 =	simm.s32 @!p1 $0x9800;
	[sflag:s11] =	ssyncadd.s32 @!p1 $0xFFFFE000;
	s11 =	simm.s32 @!p1 $0x80  }
0xc3: {  	[spmem:s2] =	stream.indirect.scatter.add.f32 @!p1 [tilespmem:s9], [sflag:$0x7], $0x40, s13, s11, $0xb8;
	[tilespmem:$0x1D980] =	vst v63  }
0xc4: {  	s24 =	sadd.s32 $0x1, s8;
	s14 =	simm.s32 @!p3 $0x9800;
	_ =	swait.ge @!p1 [sflag:s12], $0x2000  }
0xc5: {  	s15 =	sadd.s32 @!p3 $0xFFFFFF00, s7;
	p2 =	sgt.u32 s24, $0x9C3;
	[sflag:s12] =	ssyncset.done @!p1 $0x0  }
0xc6: {  	s11 =	sadd.s32 @!p3 $0xFFFFFFE0, s31;
	s13 =	simm.s32 @!p3 $0x0;
	[sflag:s12] =	ssyncadd.s32 @!p1 $0xFFFFE000  }
0xc7: {  	[tilespmem:s14], [sflag:$0x4] =	stream.linear.gather @!p3 [hbm4b:s11+s13], $0x80, $0x38;
	[tilespmem:$0x1D980] =	vst v63  }
0xc8: {  	s9 =	simm.s32 @!p3 $0x80;
	s12 =	simm.s32 @!p2 $0x5;
	s11 =	simm.s32 @!p3 $0x3800  }
0xc9: {  	[tilespmem:s11], [sflag:$0x1] =	stream.indirect.gather @!p3 [spmem:s3], $0x40, s15, s9, $0xb8;
	[tilespmem:$0x1D980] =	vst v63  }
0xca: {  	_ =	swait.ge @!p2 [sflag:s12], $0x80  }
0xcb: {  	[sflag:s12] =	ssyncset.done @!p2 $0x0  }
0xcc: {  	s9 =	simm.s32 @!p2 $0x2;
	[sflag:s12] =	ssyncadd.s32 @!p2 $0xFFFFFF80  }
0xcd: {  	s16 =	sadd.s32 $0x4, s8;
	s17 =	sadd.s32 $0x2, s8;
	_ =	swait.ge @!p2 [sflag:s9], $0x2000  }
0xce: {  	s13 =	simm.s32 @!p2 $0x5800;
	s14 =	simm.s32 @!p2 $0x80;
	[sflag:s9] =	ssyncset.done @!p2 $0x0  }
0xcf: {  	s15 =	simm.s32 @!p2 $0x9880;
	[sflag:s9] =	ssyncadd.s32 @!p2 $0xFFFFE000;
	s9 =	simm.s32 @!p2 $0x7  }
0xd0: {  	[spmem:s2] =	stream.indirect.scatter.add.f32 @!p2 [tilespmem:s13], [sflag:$0x7], $0x40, s15, s14, $0xb8;
	[tilespmem:$0x1D980] =	vst v63  }
0xd1: {  	p1 =	sgt.u32 s17, $0x9C3;
	p3 =	sgt.u32 s16, $0x9C3;
	_ =	swait.ge @!p2 [sflag:s9], $0x2000  }
0xd2: {  	s11 =	sadd.s32 @!p3 $0xFFFFFFF0, s31;
	s12 =	simm.s32 @!p3 $0x5800;
	[sflag:s9] =	ssyncset.done @!p2 $0x0  }
0xd3: {  	s13 =	simm.s32 @!p3 $0x9880;
	[sflag:s9] =	ssyncadd.s32 @!p2 $0xFFFFE000;
	s9 =	simm.s32 @!p3 $0x0  }
0xd4: {  	[tilespmem:s13], [sflag:$0x5] =	stream.linear.gather @!p3 [hbm4b:s11+s9], $0x80, $0x38;
	[tilespmem:$0x1D980] =	vst v63  }
0xd5: {  	s9 =	sadd.s32 @!p3 $0xFFFFFF80, s7;
	s11 =	simm.s32 @!p3 $0x80;
	s13 =	simm.s32 @!p1 $0x6  }
0xd6: {  	[tilespmem:s12], [sflag:$0x2] =	stream.indirect.gather @!p3 [spmem:s3], $0x40, s9, s11, $0xb8;
	[tilespmem:$0x1D980] =	vst v63  }
0xd7: {  	_ =	swait.ge @!p1 [sflag:s13], $0x80  }
0xd8: {  	[sflag:s13] =	ssyncset.done @!p1 $0x0  }
0xd9: {  	s9 =	simm.s32 @!p1 $0x3;
	[sflag:s13] =	ssyncadd.s32 @!p1 $0xFFFFFF80  }
0xda: {  	p2 =	seq.s32 s6, $0x4B;
	s6 =	sadd.s32 $0x5, s8;
	_ =	swait.ge @!p1 [sflag:s9], $0x2000  }
0xdb: {  	s8 =	simm.s32 @!p1 $0x7;
	s11 =	simm.s32 @!p1 $0x7800;
	[sflag:s9] =	ssyncset.done @!p1 $0x0  }
0xdc: {  	s12 =	simm.s32 @!p1 $0x80;
	s13 =	simm.s32 @!p1 $0x9900;
	[sflag:s9] =	ssyncadd.s32 @!p1 $0xFFFFE000  }
0xdd: {  	[spmem:s2] =	stream.indirect.scatter.add.f32 @!p1 [tilespmem:s11], [sflag:$0x7], $0x40, s13, s12, $0xb8;
	[tilespmem:$0x1D980] =	vst v63  }
0xde: {  	p3 =	sgt.u32 @!p2 s6, $0x9C3;
	p2 =	por p2, p2;
	_ =	swait.ge @!p1 [sflag:s8], $0x2000  }
0xdf: {  	p2 =	por p3, p2;
	[sflag:s8] =	ssyncset.done @!p1 $0x0  }
0xe0: {  	s6 =	simm.s32 @!p2 $0x0;
	[sflag:s8] =	ssyncadd.s32 @!p1 $0xFFFFE000;
	s8 =	simm.s32 @!p2 $0x9900  }
0xe1: {  	[tilespmem:s8], [sflag:$0x6] =	stream.linear.gather @!p2 [hbm4b:s31+s6], $0x80, $0x38;
	[tilespmem:$0x1D980] =	vst v63  }
0xe2: {  	s6 =	simm.s32 @!p2 $0x80;
	s8 =	simm.s32 @!p2 $0x7800  }
0xe3: {  	[tilespmem:s8], [sflag:$0x3] =	stream.indirect.gather @!p2 [spmem:s3], $0x40, s7, s6, $0xb8;
	[tilespmem:$0x1D980] =	vst v63  }
0xe4: {  	s6 =	simm.s32 @!p0 $0x4  }
0xe5: {  	_ =	swait.ge @!p0 [sflag:s6], $0x80  }
0xe6: {  	[sflag:s6] =	ssyncset.done @!p0 $0x0  }
0xe7: {  	[sflag:s6] =	ssyncadd.s32 @!p0 $0xFFFFFF80;
	s6 =	simm.s32 @!p0 $0x1  }
0xe8: {  	_ =	swait.ge @!p0 [sflag:s6], $0x2000  }
0xe9: {  	s7 =	simm.s32 @!p0 $0x9800;
	[sflag:s6] =	ssyncset.done @!p0 $0x0  }
0xea: {  	s8 =	simm.s32 @!p0 $0x3800;
	[sflag:s6] =	ssyncadd.s32 @!p0 $0xFFFFE000;
	s6 =	simm.s32 @!p0 $0x80  }
0xeb: {  	[spmem:s2] =	stream.indirect.scatter.add.f32 @!p0 [tilespmem:s8], [sflag:$0x7], $0x40, s7, s6, $0xb8;
	[tilespmem:$0x1D980] =	vst v63  }
0xec: {  	s7 =	simm.s32 @!p0 $0x7  }
0xed: {  	_ =	swait.ge @!p0 [sflag:s7], $0x2000  }
0xee: {  	[sflag:s7] =	ssyncset.done @!p0 $0x0  }
0xef: {  	s8 =	simm.s32 @!p0 $0x5;
	[sflag:s7] =	ssyncadd.s32 @!p0 $0xFFFFE000  }
0xf0: {  	_ =	swait.ge @!p0 [sflag:s8], $0x80  }
0xf1: {  	[sflag:s8] =	ssyncset.done @!p0 $0x0  }
0xf2: {  	[sflag:s8] =	ssyncadd.s32 @!p0 $0xFFFFFF80;
	s8 =	simm.s32 @!p0 $0x2  }
0xf3: {  	_ =	swait.ge @!p0 [sflag:s8], $0x2000  }
0xf4: {  	[sflag:s8] =	ssyncset.done @!p0 $0x0  }
0xf5: {  	s9 =	simm.s32 @!p0 $0x5800;
	[sflag:s8] =	ssyncadd.s32 @!p0 $0xFFFFE000;
	s8 =	simm.s32 @!p0 $0x9880  }
0xf6: {  	[spmem:s2] =	stream.indirect.scatter.add.f32 @!p0 [tilespmem:s9], [sflag:$0x7], $0x40, s8, s6, $0xb8;
	[tilespmem:$0x1D980] =	vst v63  }
0xf7: {  	_ =	swait.ge @!p0 [sflag:s7], $0x2000  }
0xf8: {  	[sflag:s7] =	ssyncset.done @!p0 $0x0  }
0xf9: {  	s4 =	sadd.s32 $0x1, s4;
	[sflag:s7] =	ssyncadd.s32 @!p0 $0xFFFFE000  }
0xfa: {  	s20 =	sor.u32 $0x1C07, s18;
	p1 =	sne.s32 s4, s23;
	[bflag:$0x0] =	sbarrier.arrive $0xFFFF  }
.Ltmp2:
0xfb: {  	s24 =	sshrl.u32 s5, $0x3;
	s31 =	rddreg [dreg:$0x10];
	(pc) =	sbr.rel @p1 .LBB2_1-.Ltmp2, $4  }
0xfc: {  	[hbm:s31], [sflag:s20] =	dma.local [spmem:s24], $0x1400  }
0xfd: {  	_ =	swait.ge [sflag:s1], $0x1400  }
0xfe: {  	[sflag:s1] =	ssyncset.done $0x0  }
0xff: {  	[sflag:s1] =	ssyncadd.s32 $0xFFFFEC00  }
0x100: {  	_ =	sfence.sel $0x180000  }
0x101: {  	[bflag:$0x0] =	sbarrier.arrive $0xFFFF  }
0x102: {  	_ =	strace $0x90000047  }
0x103: {  	s0 =	stileid.u32;
	[bflag:$0x2] =	sbarrier.arrive $0xFFFF  }
0x104: {  	p0 =	sne.s32 s0, $0x0;
	s0 =	rddreg [dreg:$0x4]  }
0x105: {  	s0 =	sadd.s32 @!p0 $0x100000, s0  }
0x106: {  	[sflag:s0] =	ssyncadd.tile.s32 @!p0 $0x1;
	_ =	shalt  }
.Lfunc_end2:
_tile_overlayer_lowered:
.L_overlay_start_2:
0x107: {  	(tag) =	ssettag $0x2  }
0x108: {  	s0 =	rddreg [dreg:$0x0];
	s2 =	stileid.u32  }
0x109: {  	s1 =	rddreg [dreg:$0x1];
	p0 =	sne.s32 s2, $0x0  }
0x10a: {  	s3 =	rddreg [dreg:$0x2];
	[bflag:$0x3] =	sbarrier.arrive $0xFFFF;
	s2 =	simm.s32 @!p0 $0x1C07  }
0x10b: {  	[timem:s3], [sflag:s2] =	dma.local @!p0 [hbm:s0], s1  }
0x10c: {  	s0 =	simm.s32 @!p0 $0x7  }
0x10d: {  	_ =	swait.ge @!p0 [sflag:s0], s1  }
0x10e: {  	s1 =	ssub.s32 @!p0 $0x0, s1;
	[sflag:s0] =	ssyncset.done @!p0 $0x0  }
0x10f: {  	[sflag:s0] =	ssyncadd.s32 @!p0 s1  }
0x110: {  	[bflag:$0x3] =	sbarrier.arrive $0xFFFF  }
0x111: {  	_ =	shalt  }

</sc_bundles>
